<compile_context>
chip_gen: v7x
topology: tpu7x:2x2x1
jax: 0.10.2.dev20260603
libtpu: 0.0.44.dev20260713+nightly
codegen_flags: <defaults>
</compile_context>

<pallas_src>
import jax
import jax.numpy as jnp
from jax import lax
from jax.experimental import pallas as pl
from jax.experimental.pallas import tpu as pltpu
from jax.experimental.pallas import tpu_sc as plsc

N_MODEL_ROWS = 2_000_000
N_POINTS = 500_000
NC = 2
NS = 16
LANES = 16

N_PAD = 524_288
TC_ROWS = N_PAD // 128
TC_BLOCK = 1024
PER_TILE = N_PAD // NS
ROWS_PER_CORE = N_MODEL_ROWS // NC
BCH = 25_000
N_BCH = ROWS_PER_CORE // BCH
DUMMY_ROWS = 64
WIN = 2048


def _norm_body(x_ref, y_ref, m_ref, ids_ref, o_ref, ida_ref, idb_ref):
    xx = x_ref[...]
    yy = y_ref[...]
    m = m_ref[...]
    ids = ids_ref[...]
    o_ref[...] = jnp.sqrt(xx * xx + yy * yy) * m.astype(jnp.float32)
    sink = ROWS_PER_CORE + (
        lax.broadcasted_iota(jnp.int32, (TC_BLOCK, 128), 1) % DUMMY_ROWS)
    ida_ref[...] = jnp.where(m & (ids < ROWS_PER_CORE), ids, sink)
    idb_ref[...] = jnp.where(m & (ids >= ROWS_PER_CORE),
                             ids - ROWS_PER_CORE, sink)


_norm_call = pl.pallas_call(
    _norm_body,
    out_shape=(
        jax.ShapeDtypeStruct((TC_ROWS, 128), jnp.float32),
        jax.ShapeDtypeStruct((TC_ROWS, 128), jnp.int32),
        jax.ShapeDtypeStruct((TC_ROWS, 128), jnp.int32),
    ),
    grid=(TC_ROWS // TC_BLOCK,),
    in_specs=[pl.BlockSpec((TC_BLOCK, 128), lambda i: (i, 0))] * 4,
    out_specs=[pl.BlockSpec((TC_BLOCK, 128), lambda i: (i, 0))] * 3,
)


def _sc_body(ida_hbm, idb_hbm, contrib_hbm,
             acc_out_hbm, den_out_hbm, idx_v, val_v, shared):
    c = lax.axis_index("c")
    s = lax.axis_index("s")
    base = s * PER_TILE
    lo = c * ROWS_PER_CORE

    def _fill(value):
        def fstep(i, carry):
            val_v[pl.ds(i * LANES, LANES)] = jnp.full((LANES,), value,
                                                      jnp.float32)
            return carry
        lax.fori_loop(0, BCH // LANES, fstep, 0)
        val_v[pl.ds(BCH - LANES, LANES)] = jnp.full((LANES,), value,
                                                    jnp.float32)

    def _zero_init():
        _fill(0.0)
        for j in range((N_BCH + NS - 1) // NS):
            k = j * NS + s
            @pl.when(k < N_BCH)
            def _():
                o = k * BCH
                pltpu.sync_copy(val_v.at[pl.ds(0, BCH)],
                                shared.at[pl.ds(o, BCH)])

    def _drain_to(dst_hbm):
        for j in range((N_BCH + NS - 1) // NS):
            k = j * NS + s
            @pl.when(k < N_BCH)
            def _():
                o = k * BCH
                pltpu.sync_copy(shared.at[pl.ds(o, BCH)],
                                val_v.at[pl.ds(0, BCH)])
                pltpu.sync_copy(val_v.at[pl.ds(0, BCH)],
                                dst_hbm.at[pl.ds(lo + o, BCH)])

    @pl.when(c == 0)
    def _():
        pltpu.sync_copy(ida_hbm.at[pl.ds(base, PER_TILE)],
                        idx_v.at[pl.ds(0, PER_TILE)])

    @pl.when(c == 1)
    def _():
        pltpu.sync_copy(idb_hbm.at[pl.ds(base, PER_TILE)],
                        idx_v.at[pl.ds(0, PER_TILE)])

    _zero_init()
    pltpu.sync_copy(contrib_hbm.at[pl.ds(base, PER_TILE)],
                    val_v.at[pl.ds(0, PER_TILE)])
    plsc.subcore_barrier()

    def _scatter():
        def wstep(w, carry):
            sl = pl.ds(w * WIN, WIN)
            pltpu.sync_copy(val_v.at[sl], shared.at[idx_v.at[sl]], add=True)
            return carry
        lax.fori_loop(0, PER_TILE // WIN, wstep, 0)

    _scatter()
    plsc.subcore_barrier()
    _drain_to(acc_out_hbm)

    _zero_init()

    def ones_step(i, carry):
        val_v[pl.ds(i * LANES, LANES)] = jnp.full((LANES,), 1.0, jnp.float32)
        return carry

    lax.fori_loop(0, PER_TILE // LANES, ones_step, 0)
    plsc.subcore_barrier()
    _scatter()
    plsc.subcore_barrier()
    _drain_to(den_out_hbm)


_sc_call = pl.kernel(
    _sc_body,
    out_type=(
        jax.ShapeDtypeStruct((N_MODEL_ROWS,), jnp.float32),
        jax.ShapeDtypeStruct((N_MODEL_ROWS,), jnp.float32),
    ),
    mesh=plsc.VectorSubcoreMesh(
        core_axis_name="c", subcore_axis_name="s",
        num_cores=NC, num_subcores=NS),
    scratch_types=[
        pltpu.VMEM((PER_TILE,), jnp.int32),
        pltpu.VMEM((PER_TILE,), jnp.float32),
        pltpu.VMEM_SHARED((ROWS_PER_CORE + DUMMY_ROWS,), jnp.float32),
    ],
)


@jax.jit
def kernel(viewspace_grad, update_filter, gaussian_ids, xyz_gradient_accum,
           denom):
    pad = N_PAD - N_POINTS
    x = jnp.pad(viewspace_grad[:, 0], (0, pad)).reshape(TC_ROWS, 128)
    y = jnp.pad(viewspace_grad[:, 1], (0, pad)).reshape(TC_ROWS, 128)
    m = jnp.pad(update_filter, (0, pad)).reshape(TC_ROWS, 128)
    ids = jnp.pad(gaussian_ids.astype(jnp.int32), (0, pad))
    contrib, ida, idb = _norm_call(x, y, m, ids.reshape(TC_ROWS, 128))
    acc, den = _sc_call(ida.reshape(N_PAD), idb.reshape(N_PAD),
                        contrib.reshape(N_PAD))
    return (jnp.stack([acc, den], axis=-1)
            + jnp.concatenate([xyz_gradient_accum, denom], axis=-1))

# --- scband reference (transcript-rebuilt; emitter-appended) ---
"""Pipeline reference for scband-gaussian-model-42133629174107 (READ-ONLY COPY).

The authoritative reference and input builder live on the scoring server;
editing this copy changes nothing except your own understanding.
"""

import jax, jax.numpy as jnp
import numpy as np

N_MODEL = 2_000_000
N_VIS = 500_000


def setup_inputs(seed: int = 0) -> dict:
    key = jax.random.key(seed)
    k1, k2, k3 = jax.random.split(key, 3)
    viewspace_grad = jax.random.normal(k1, (N_VIS, 2), dtype=jnp.float32) * 0.01
    update_filter = jax.random.randint(k2, (N_VIS,), 0, 2).astype(bool)
    gaussian_ids = jax.random.randint(k3, (N_VIS,), 0, N_MODEL)
    xyz_gradient_accum = jnp.zeros((N_MODEL, 1), dtype=jnp.float32)
    denom = jnp.zeros((N_MODEL, 1), dtype=jnp.float32)
    return {
        'viewspace_grad': viewspace_grad,
        'update_filter': update_filter,
        'gaussian_ids': gaussian_ids,
        'xyz_gradient_accum': xyz_gradient_accum,
        'denom': denom,
    }


def reference(viewspace_grad, update_filter, gaussian_ids, xyz_gradient_accum, denom):
    # Faithful jax translation of GaussianModel.add_densification_stats with gaussian_ids.
    # torch: visible_grads = norm(viewspace_point_tensor.grad[update_filter, :2], dim=-1, keepdim=True)
    #        xyz_gradient_accum[gaussian_ids[update_filter]] += visible_grads
    #        denom[gaussian_ids[update_filter]] += 1
    # Implemented with a mask (equivalent math: unselected rows contribute 0) so shapes are static.
    grads = jnp.linalg.norm(viewspace_grad[:, :2], axis=-1, keepdims=True)  # [N_vis, 1]
    mask = update_filter[:, None].astype(viewspace_grad.dtype)              # [N_vis, 1]
    contrib = grads * mask
    new_accum = xyz_gradient_accum.at[gaussian_ids].add(contrib)            # scatter-add
    new_denom = denom.at[gaussian_ids].add(mask)                            # scatter-add of counts
    return jnp.concatenate([new_accum, new_denom], axis=-1)  # [N_MODEL, 2]

if __name__ == "__main__":
    import jax
    _d = setup_inputs()
    print(jax.jit(kernel)(*tuple(_d.values())))

</pallas_src>

<mosaic_0001>
#map = affine_map<(d0, d1) -> (0)>
module attributes {stable_mosaic.version = 14 : i64} {
  func.func @_sc_body(%arg0: i32, %arg1: i32, %arg2: memref<524288xi32, #tpu.memory_space<hbm>>, %arg3: memref<524288xi32, #tpu.memory_space<hbm>>, %arg4: memref<524288xf32, #tpu.memory_space<hbm>>, %arg5: memref<2000000xf32, #tpu.memory_space<hbm>>, %arg6: memref<2000000xf32, #tpu.memory_space<hbm>>, %arg7: memref<32768xi32, #tpu.memory_space<vmem>>, %arg8: memref<32768xf32, #tpu.memory_space<vmem>>, %arg9: memref<1000064xf32, #tpu.memory_space<vmem_shared>>) attributes {dimension_semantics = [#tpu.dimension_semantics<core_parallel>, #tpu.dimension_semantics<subcore_parallel>], iteration_bounds = array<i64: 2, 16>, scalar_prefetch = 0 : i64, scratch_operands = 3 : i64, tpu.core_type = #tpu.core_type<sc_vector_subcore>, window_params = [{transform_indices = #map}, {transform_indices = #map}, {transform_indices = #map}, {transform_indices = #map}, {transform_indices = #map}]} {
    %mul3A = arith.constant 32768 : i32
    %mul3A_0 = arith.muli %arg1, %mul3A : i32
    %mul3A_1 = arith.constant 1000000 : i32
    %mul3A_2 = arith.muli %arg0, %mul3A_1 : i32
    %eq3A = arith.constant 0 : i32
    %eq3A_3 = arith.cmpi eq, %arg0, %eq3A : i32
    %convert_element_type3A = arith.extui %eq3A_3 : i1 to i32
    %cond3A = arith.constant 0 : i32
    %cond3A_4 = arith.cmpi ne, %convert_element_type3A, %cond3A : i32
    scf.if %cond3A_4 {
      "tpu.region"() ({
        %run_scoped3A = tpu.sem_alloc : memref<!tpu.dma_semaphore, #tpu.memory_space<semaphore_mem>>
        %dma_start3A = arith.constant 0 : i32
        %dma_start3A_134 = tpu.memref_slice %arg7[%dma_start3A] : memref<32768xi32, #tpu.memory_space<vmem>> -> memref<32768xi32, #tpu.memory_space<vmem>>
        %dma_start3A_135 = tpu.memref_slice %arg2[%mul3A_0] : memref<524288xi32, #tpu.memory_space<hbm>> -> memref<32768xi32, #tpu.memory_space<hbm>>
        %dma_start3A_136 = arith.constant 0 : i32
        %dma_start3A_137 = tpu.memref_slice %arg7[%dma_start3A_136] : memref<32768xi32, #tpu.memory_space<vmem>> -> memref<32768xi32, #tpu.memory_space<vmem>>
        %dma_start3A_138 = tpu.memref_slice %arg2[%mul3A_0] : memref<524288xi32, #tpu.memory_space<hbm>> -> memref<32768xi32, #tpu.memory_space<hbm>>
        tpu.enqueue_dma source(%dma_start3A_138 : memref<32768xi32, #tpu.memory_space<hbm>>) target(%dma_start3A_137 : memref<32768xi32, #tpu.memory_space<vmem>>) target_semaphore(%run_scoped3A : memref<!tpu.dma_semaphore, #tpu.memory_space<semaphore_mem>>)
        %dma_wait3A = arith.constant 0 : i32
        %dma_wait3A_139 = tpu.memref_slice %arg7[%dma_wait3A] : memref<32768xi32, #tpu.memory_space<vmem>> -> memref<32768xi32, #tpu.memory_space<vmem>>
        %dma_wait3A_140 = tpu.memref_slice %arg2[%mul3A_0] : memref<524288xi32, #tpu.memory_space<hbm>> -> memref<32768xi32, #tpu.memory_space<hbm>>
        %dma_wait3A_141 = arith.constant 0 : i32
        %dma_wait3A_142 = tpu.memref_slice %arg7[%dma_wait3A_141] : memref<32768xi32, #tpu.memory_space<vmem>> -> memref<32768xi32, #tpu.memory_space<vmem>>
        %dma_wait3A_143 = tpu.memref_slice %arg2[%mul3A_0] : memref<524288xi32, #tpu.memory_space<hbm>> -> memref<32768xi32, #tpu.memory_space<hbm>>
        tpu.wait_dma2 semaphore(%run_scoped3A : memref<!tpu.dma_semaphore, #tpu.memory_space<semaphore_mem>>) src(%dma_wait3A_143 : memref<32768xi32, #tpu.memory_space<hbm>>) dst(%dma_wait3A_142 : memref<32768xi32, #tpu.memory_space<vmem>>)
        tpu.yield
      }) : () -> ()
    } else {
    }
    %eq3A_5 = arith.constant 1 : i32
    %eq3A_6 = arith.cmpi eq, %arg0, %eq3A_5 : i32
    %convert_element_type3A_7 = arith.extui %eq3A_6 : i1 to i32
    %cond3A_8 = arith.constant 0 : i32
    %cond3A_9 = arith.cmpi ne, %convert_element_type3A_7, %cond3A_8 : i32
    scf.if %cond3A_9 {
      "tpu.region"() ({
        %run_scoped3A = tpu.sem_alloc : memref<!tpu.dma_semaphore, #tpu.memory_space<semaphore_mem>>
        %dma_start3A = arith.constant 0 : i32
        %dma_start3A_134 = tpu.memref_slice %arg7[%dma_start3A] : memref<32768xi32, #tpu.memory_space<vmem>> -> memref<32768xi32, #tpu.memory_space<vmem>>
        %dma_start3A_135 = tpu.memref_slice %arg3[%mul3A_0] : memref<524288xi32, #tpu.memory_space<hbm>> -> memref<32768xi32, #tpu.memory_space<hbm>>
        %dma_start3A_136 = arith.constant 0 : i32
        %dma_start3A_137 = tpu.memref_slice %arg7[%dma_start3A_136] : memref<32768xi32, #tpu.memory_space<vmem>> -> memref<32768xi32, #tpu.memory_space<vmem>>
        %dma_start3A_138 = tpu.memref_slice %arg3[%mul3A_0] : memref<524288xi32, #tpu.memory_space<hbm>> -> memref<32768xi32, #tpu.memory_space<hbm>>
        tpu.enqueue_dma source(%dma_start3A_138 : memref<32768xi32, #tpu.memory_space<hbm>>) target(%dma_start3A_137 : memref<32768xi32, #tpu.memory_space<vmem>>) target_semaphore(%run_scoped3A : memref<!tpu.dma_semaphore, #tpu.memory_space<semaphore_mem>>)
        %dma_wait3A = arith.constant 0 : i32
        %dma_wait3A_139 = tpu.memref_slice %arg7[%dma_wait3A] : memref<32768xi32, #tpu.memory_space<vmem>> -> memref<32768xi32, #tpu.memory_space<vmem>>
        %dma_wait3A_140 = tpu.memref_slice %arg3[%mul3A_0] : memref<524288xi32, #tpu.memory_space<hbm>> -> memref<32768xi32, #tpu.memory_space<hbm>>
        %dma_wait3A_141 = arith.constant 0 : i32
        %dma_wait3A_142 = tpu.memref_slice %arg7[%dma_wait3A_141] : memref<32768xi32, #tpu.memory_space<vmem>> -> memref<32768xi32, #tpu.memory_space<vmem>>
        %dma_wait3A_143 = tpu.memref_slice %arg3[%mul3A_0] : memref<524288xi32, #tpu.memory_space<hbm>> -> memref<32768xi32, #tpu.memory_space<hbm>>
        tpu.wait_dma2 semaphore(%run_scoped3A : memref<!tpu.dma_semaphore, #tpu.memory_space<semaphore_mem>>) src(%dma_wait3A_143 : memref<32768xi32, #tpu.memory_space<hbm>>) dst(%dma_wait3A_142 : memref<32768xi32, #tpu.memory_space<vmem>>)
        tpu.yield
      }) : () -> ()
    } else {
    }
    %scan3A = arith.constant 0 : i32
    %scan3A_10 = arith.constant 0 : i32
    %scan3A_11 = arith.constant 1562 : i32
    %scan3A_12 = arith.addi %scan3A_10, %scan3A_11 : i32
    %scan3A_13 = arith.constant 1 : i32
    scf.for %scan3A_134 = %scan3A_10 to %scan3A_12 step %scan3A_13  : i32 {
      %broadcast_in_dim3A_135 = arith.constant 0.000000e+00 : f32
      %broadcast_in_dim3A_136 = vector.broadcast %broadcast_in_dim3A_135 : f32 to vector<16xf32>
      %mul3A_137 = arith.constant 16 : i32
      %mul3A_138 = arith.muli %scan3A_134, %mul3A_137 : i32
      %swap3A_139 = arith.index_cast %mul3A_138 : i32 to index
      %swap3A_140 = tpu.vector_load %arg8[%swap3A_139] {strides = array<i32>} : memref<32768xf32, #tpu.memory_space<vmem>>, vector<16xf32>,
      %swap3A_141 = vector.shape_cast %swap3A_140 : vector<16xf32> to vector<16xf32>
      %swap3A_142 = vector.shape_cast %broadcast_in_dim3A_136 : vector<16xf32> to vector<16xf32>
      tpu.vector_store %arg8[%swap3A_139], %swap3A_142 {strides = array<i32>} : memref<32768xf32, #tpu.memory_space<vmem>>, vector<16xf32>,
    }
    %scan3A_14 = arith.constant 1562 : i32
    %broadcast_in_dim3A = arith.constant 0.000000e+00 : f32
    %broadcast_in_dim3A_15 = vector.broadcast %broadcast_in_dim3A : f32 to vector<16xf32>
    %swap3A = arith.constant 24984 : index
    %swap3A_16 = tpu.vector_load %arg8[%swap3A] {strides = array<i32>} : memref<32768xf32, #tpu.memory_space<vmem>>, vector<16xf32>,
    %swap3A_17 = vector.shape_cast %swap3A_16 : vector<16xf32> to vector<16xf32>
    %swap3A_18 = vector.shape_cast %broadcast_in_dim3A_15 : vector<16xf32> to vector<16xf32>
    tpu.vector_store %arg8[%swap3A], %swap3A_18 {strides = array<i32>} : memref<32768xf32, #tpu.memory_space<vmem>>, vector<16xf32>,
    %add3A = arith.constant 0 : i32
    %add3A_19 = arith.addi %add3A, %arg1 : i32
    %lt3A = arith.constant 40 : i32
    %lt3A_20 = arith.cmpi slt, %add3A_19, %lt3A : i32
    %convert_element_type3A_21 = arith.extui %lt3A_20 : i1 to i32
    %cond3A_22 = arith.constant 0 : i32
    %cond3A_23 = arith.cmpi ne, %convert_element_type3A_21, %cond3A_22 : i32
    scf.if %cond3A_23 {
      %mul3A_134 = arith.constant 25000 : i32
      %mul3A_135 = arith.muli %add3A_19, %mul3A_134 : i32
      "tpu.region"() ({
        %run_scoped3A = tpu.sem_alloc : memref<!tpu.dma_semaphore, #tpu.memory_space<semaphore_mem>>
        %dma_start3A = arith.constant 0 : i32
        %dma_start3A_136 = tpu.memref_slice %arg8[%dma_start3A] : memref<32768xf32, #tpu.memory_space<vmem>> -> memref<25000xf32, #tpu.memory_space<vmem>>
        %dma_start3A_137 = tpu.memref_slice %arg9[%mul3A_135] : memref<1000064xf32, #tpu.memory_space<vmem_shared>> -> memref<25000xf32, #tpu.memory_space<vmem_shared>>
        %dma_start3A_138 = tpu.memref_slice %arg9[%mul3A_135] : memref<1000064xf32, #tpu.memory_space<vmem_shared>> -> memref<25000xf32, #tpu.memory_space<vmem_shared>>
        %dma_start3A_139 = arith.constant 0 : i32
        %dma_start3A_140 = tpu.memref_slice %arg8[%dma_start3A_139] : memref<32768xf32, #tpu.memory_space<vmem>> -> memref<25000xf32, #tpu.memory_space<vmem>>
        tpu.enqueue_dma source(%dma_start3A_140 : memref<25000xf32, #tpu.memory_space<vmem>>) target(%dma_start3A_138 : memref<25000xf32, #tpu.memory_space<vmem_shared>>) target_semaphore(%run_scoped3A : memref<!tpu.dma_semaphore, #tpu.memory_space<semaphore_mem>>)
        %dma_wait3A = arith.constant 0 : i32
        %dma_wait3A_141 = tpu.memref_slice %arg8[%dma_wait3A] : memref<32768xf32, #tpu.memory_space<vmem>> -> memref<25000xf32, #tpu.memory_space<vmem>>
        %dma_wait3A_142 = tpu.memref_slice %arg9[%mul3A_135] : memref<1000064xf32, #tpu.memory_space<vmem_shared>> -> memref<25000xf32, #tpu.memory_space<vmem_shared>>
        %dma_wait3A_143 = tpu.memref_slice %arg9[%mul3A_135] : memref<1000064xf32, #tpu.memory_space<vmem_shared>> -> memref<25000xf32, #tpu.memory_space<vmem_shared>>
        %dma_wait3A_144 = arith.constant 0 : i32
        %dma_wait3A_145 = tpu.memref_slice %arg8[%dma_wait3A_144] : memref<32768xf32, #tpu.memory_space<vmem>> -> memref<25000xf32, #tpu.memory_space<vmem>>
        tpu.wait_dma2 semaphore(%run_scoped3A : memref<!tpu.dma_semaphore, #tpu.memory_space<semaphore_mem>>) src(%dma_wait3A_145 : memref<25000xf32, #tpu.memory_space<vmem>>) dst(%dma_wait3A_143 : memref<25000xf32, #tpu.memory_space<vmem_shared>>)
        tpu.yield
      }) : () -> ()
    } else {
    }
    %add3A_24 = arith.constant 16 : i32
    %add3A_25 = arith.addi %add3A_24, %arg1 : i32
    %lt3A_26 = arith.constant 40 : i32
    %lt3A_27 = arith.cmpi slt, %add3A_25, %lt3A_26 : i32
    %convert_element_type3A_28 = arith.extui %lt3A_27 : i1 to i32
    %cond3A_29 = arith.constant 0 : i32
    %cond3A_30 = arith.cmpi ne, %convert_element_type3A_28, %cond3A_29 : i32
    scf.if %cond3A_30 {
      %mul3A_134 = arith.constant 25000 : i32
      %mul3A_135 = arith.muli %add3A_25, %mul3A_134 : i32
      "tpu.region"() ({
        %run_scoped3A = tpu.sem_alloc : memref<!tpu.dma_semaphore, #tpu.memory_space<semaphore_mem>>
        %dma_start3A = arith.constant 0 : i32
        %dma_start3A_136 = tpu.memref_slice %arg8[%dma_start3A] : memref<32768xf32, #tpu.memory_space<vmem>> -> memref<25000xf32, #tpu.memory_space<vmem>>
        %dma_start3A_137 = tpu.memref_slice %arg9[%mul3A_135] : memref<1000064xf32, #tpu.memory_space<vmem_shared>> -> memref<25000xf32, #tpu.memory_space<vmem_shared>>
        %dma_start3A_138 = tpu.memref_slice %arg9[%mul3A_135] : memref<1000064xf32, #tpu.memory_space<vmem_shared>> -> memref<25000xf32, #tpu.memory_space<vmem_shared>>
        %dma_start3A_139 = arith.constant 0 : i32
        %dma_start3A_140 = tpu.memref_slice %arg8[%dma_start3A_139] : memref<32768xf32, #tpu.memory_space<vmem>> -> memref<25000xf32, #tpu.memory_space<vmem>>
        tpu.enqueue_dma source(%dma_start3A_140 : memref<25000xf32, #tpu.memory_space<vmem>>) target(%dma_start3A_138 : memref<25000xf32, #tpu.memory_space<vmem_shared>>) target_semaphore(%run_scoped3A : memref<!tpu.dma_semaphore, #tpu.memory_space<semaphore_mem>>)
        %dma_wait3A = arith.constant 0 : i32
        %dma_wait3A_141 = tpu.memref_slice %arg8[%dma_wait3A] : memref<32768xf32, #tpu.memory_space<vmem>> -> memref<25000xf32, #tpu.memory_space<vmem>>
        %dma_wait3A_142 = tpu.memref_slice %arg9[%mul3A_135] : memref<1000064xf32, #tpu.memory_space<vmem_shared>> -> memref<25000xf32, #tpu.memory_space<vmem_shared>>
        %dma_wait3A_143 = tpu.memref_slice %arg9[%mul3A_135] : memref<1000064xf32, #tpu.memory_space<vmem_shared>> -> memref<25000xf32, #tpu.memory_space<vmem_shared>>
        %dma_wait3A_144 = arith.constant 0 : i32
        %dma_wait3A_145 = tpu.memref_slice %arg8[%dma_wait3A_144] : memref<32768xf32, #tpu.memory_space<vmem>> -> memref<25000xf32, #tpu.memory_space<vmem>>
        tpu.wait_dma2 semaphore(%run_scoped3A : memref<!tpu.dma_semaphore, #tpu.memory_space<semaphore_mem>>) src(%dma_wait3A_145 : memref<25000xf32, #tpu.memory_space<vmem>>) dst(%dma_wait3A_143 : memref<25000xf32, #tpu.memory_space<vmem_shared>>)
        tpu.yield
      }) : () -> ()
    } else {
    }
    %add3A_31 = arith.constant 32 : i32
    %add3A_32 = arith.addi %add3A_31, %arg1 : i32
    %lt3A_33 = arith.constant 40 : i32
    %lt3A_34 = arith.cmpi slt, %add3A_32, %lt3A_33 : i32
    %convert_element_type3A_35 = arith.extui %lt3A_34 : i1 to i32
    %cond3A_36 = arith.constant 0 : i32
    %cond3A_37 = arith.cmpi ne, %convert_element_type3A_35, %cond3A_36 : i32
    scf.if %cond3A_37 {
      %mul3A_134 = arith.constant 25000 : i32
      %mul3A_135 = arith.muli %add3A_32, %mul3A_134 : i32
      "tpu.region"() ({
        %run_scoped3A = tpu.sem_alloc : memref<!tpu.dma_semaphore, #tpu.memory_space<semaphore_mem>>
        %dma_start3A = arith.constant 0 : i32
        %dma_start3A_136 = tpu.memref_slice %arg8[%dma_start3A] : memref<32768xf32, #tpu.memory_space<vmem>> -> memref<25000xf32, #tpu.memory_space<vmem>>
        %dma_start3A_137 = tpu.memref_slice %arg9[%mul3A_135] : memref<1000064xf32, #tpu.memory_space<vmem_shared>> -> memref<25000xf32, #tpu.memory_space<vmem_shared>>
        %dma_start3A_138 = tpu.memref_slice %arg9[%mul3A_135] : memref<1000064xf32, #tpu.memory_space<vmem_shared>> -> memref<25000xf32, #tpu.memory_space<vmem_shared>>
        %dma_start3A_139 = arith.constant 0 : i32
        %dma_start3A_140 = tpu.memref_slice %arg8[%dma_start3A_139] : memref<32768xf32, #tpu.memory_space<vmem>> -> memref<25000xf32, #tpu.memory_space<vmem>>
        tpu.enqueue_dma source(%dma_start3A_140 : memref<25000xf32, #tpu.memory_space<vmem>>) target(%dma_start3A_138 : memref<25000xf32, #tpu.memory_space<vmem_shared>>) target_semaphore(%run_scoped3A : memref<!tpu.dma_semaphore, #tpu.memory_space<semaphore_mem>>)
        %dma_wait3A = arith.constant 0 : i32
        %dma_wait3A_141 = tpu.memref_slice %arg8[%dma_wait3A] : memref<32768xf32, #tpu.memory_space<vmem>> -> memref<25000xf32, #tpu.memory_space<vmem>>
        %dma_wait3A_142 = tpu.memref_slice %arg9[%mul3A_135] : memref<1000064xf32, #tpu.memory_space<vmem_shared>> -> memref<25000xf32, #tpu.memory_space<vmem_shared>>
        %dma_wait3A_143 = tpu.memref_slice %arg9[%mul3A_135] : memref<1000064xf32, #tpu.memory_space<vmem_shared>> -> memref<25000xf32, #tpu.memory_space<vmem_shared>>
        %dma_wait3A_144 = arith.constant 0 : i32
        %dma_wait3A_145 = tpu.memref_slice %arg8[%dma_wait3A_144] : memref<32768xf32, #tpu.memory_space<vmem>> -> memref<25000xf32, #tpu.memory_space<vmem>>
        tpu.wait_dma2 semaphore(%run_scoped3A : memref<!tpu.dma_semaphore, #tpu.memory_space<semaphore_mem>>) src(%dma_wait3A_145 : memref<25000xf32, #tpu.memory_space<vmem>>) dst(%dma_wait3A_143 : memref<25000xf32, #tpu.memory_space<vmem_shared>>)
        tpu.yield
      }) : () -> ()
    } else {
    }
    "tpu.region"() ({
      %run_scoped3A = tpu.sem_alloc : memref<!tpu.dma_semaphore, #tpu.memory_space<semaphore_mem>>
      %dma_start3A = arith.constant 0 : i32
      %dma_start3A_134 = tpu.memref_slice %arg8[%dma_start3A] : memref<32768xf32, #tpu.memory_space<vmem>> -> memref<32768xf32, #tpu.memory_space<vmem>>
      %dma_start3A_135 = tpu.memref_slice %arg4[%mul3A_0] : memref<524288xf32, #tpu.memory_space<hbm>> -> memref<32768xf32, #tpu.memory_space<hbm>>
      %dma_start3A_136 = arith.constant 0 : i32
      %dma_start3A_137 = tpu.memref_slice %arg8[%dma_start3A_136] : memref<32768xf32, #tpu.memory_space<vmem>> -> memref<32768xf32, #tpu.memory_space<vmem>>
      %dma_start3A_138 = tpu.memref_slice %arg4[%mul3A_0] : memref<524288xf32, #tpu.memory_space<hbm>> -> memref<32768xf32, #tpu.memory_space<hbm>>
      tpu.enqueue_dma source(%dma_start3A_138 : memref<32768xf32, #tpu.memory_space<hbm>>) target(%dma_start3A_137 : memref<32768xf32, #tpu.memory_space<vmem>>) target_semaphore(%run_scoped3A : memref<!tpu.dma_semaphore, #tpu.memory_space<semaphore_mem>>)
      %dma_wait3A = arith.constant 0 : i32
      %dma_wait3A_139 = tpu.memref_slice %arg8[%dma_wait3A] : memref<32768xf32, #tpu.memory_space<vmem>> -> memref<32768xf32, #tpu.memory_space<vmem>>
      %dma_wait3A_140 = tpu.memref_slice %arg4[%mul3A_0] : memref<524288xf32, #tpu.memory_space<hbm>> -> memref<32768xf32, #tpu.memory_space<hbm>>
      %dma_wait3A_141 = arith.constant 0 : i32
      %dma_wait3A_142 = tpu.memref_slice %arg8[%dma_wait3A_141] : memref<32768xf32, #tpu.memory_space<vmem>> -> memref<32768xf32, #tpu.memory_space<vmem>>
      %dma_wait3A_143 = tpu.memref_slice %arg4[%mul3A_0] : memref<524288xf32, #tpu.memory_space<hbm>> -> memref<32768xf32, #tpu.memory_space<hbm>>
      tpu.wait_dma2 semaphore(%run_scoped3A : memref<!tpu.dma_semaphore, #tpu.memory_space<semaphore_mem>>) src(%dma_wait3A_143 : memref<32768xf32, #tpu.memory_space<hbm>>) dst(%dma_wait3A_142 : memref<32768xf32, #tpu.memory_space<vmem>>)
      tpu.yield
    }) : () -> ()
    %barrier3A = arith.constant 0 : index
    tpu.barrier barrier_id(%barrier3A)
    %scan3A_38 = arith.constant 0 : i32
    %scan3A_39 = arith.constant 0 : i32
    %scan3A_40 = arith.constant 16 : i32
    %scan3A_41 = arith.addi %scan3A_39, %scan3A_40 : i32
    %scan3A_42 = arith.constant 1 : i32
    scf.for %scan3A_134 = %scan3A_39 to %scan3A_41 step %scan3A_42  : i32 {
      %mul3A_135 = arith.constant 2048 : i32
      %mul3A_136 = arith.muli %scan3A_134, %mul3A_135 : i32
      "tpu.region"() ({
        %run_scoped3A = tpu.sem_alloc : memref<!tpu.dma_semaphore, #tpu.memory_space<semaphore_mem>>
        %dma_start3A = tpu.memref_slice %arg8[%mul3A_136] : memref<32768xf32, #tpu.memory_space<vmem>> -> memref<2048xf32, #tpu.memory_space<vmem>>
        %dma_start3A_137 = tpu.memref_slice %arg7[%mul3A_136] : memref<32768xi32, #tpu.memory_space<vmem>> -> memref<2048xi32, #tpu.memory_space<vmem>>
        %dma_start3A_138 = arith.constant 0 : i32
        %dma_start3A_139 = tpu.memref_slice %arg9[%dma_start3A_138] : memref<1000064xf32, #tpu.memory_space<vmem_shared>> -> memref<1000064xf32, #tpu.memory_space<vmem_shared>>
        tpu.enqueue_indirect_dma source(%dma_start3A : memref<2048xf32, #tpu.memory_space<vmem>>) target(%dma_start3A_139 : memref<1000064xf32, #tpu.memory_space<vmem_shared>>) offsets(%dma_start3A_137 : memref<2048xi32, #tpu.memory_space<vmem>>) semaphore(%run_scoped3A : memref<!tpu.dma_semaphore, #tpu.memory_space<semaphore_mem>>) {add = true}
        %dma_wait3A = tpu.memref_slice %arg8[%mul3A_136] : memref<32768xf32, #tpu.memory_space<vmem>> -> memref<2048xf32, #tpu.memory_space<vmem>>
        %dma_wait3A_140 = tpu.memref_slice %arg7[%mul3A_136] : memref<32768xi32, #tpu.memory_space<vmem>> -> memref<2048xi32, #tpu.memory_space<vmem>>
        %dma_wait3A_141 = arith.constant 0 : i32
        %dma_wait3A_142 = tpu.memref_slice %arg9[%dma_wait3A_141] : memref<1000064xf32, #tpu.memory_space<vmem_shared>> -> memref<1000064xf32, #tpu.memory_space<vmem_shared>>
        tpu.wait_indirect_dma semaphore(%run_scoped3A : memref<!tpu.dma_semaphore, #tpu.memory_space<semaphore_mem>>) src(%dma_wait3A : memref<2048xf32, #tpu.memory_space<vmem>>) dst(%dma_wait3A_142 : memref<1000064xf32, #tpu.memory_space<vmem_shared>>)
        tpu.yield
      }) : () -> ()
    }
    %scan3A_43 = arith.constant 16 : i32
    %barrier3A_44 = arith.constant 0 : index
    tpu.barrier barrier_id(%barrier3A_44)
    %add3A_45 = arith.constant 0 : i32
    %add3A_46 = arith.addi %add3A_45, %arg1 : i32
    %lt3A_47 = arith.constant 40 : i32
    %lt3A_48 = arith.cmpi slt, %add3A_46, %lt3A_47 : i32
    %convert_element_type3A_49 = arith.extui %lt3A_48 : i1 to i32
    %cond3A_50 = arith.constant 0 : i32
    %cond3A_51 = arith.cmpi ne, %convert_element_type3A_49, %cond3A_50 : i32
    scf.if %cond3A_51 {
      %mul3A_134 = arith.constant 25000 : i32
      %mul3A_135 = arith.muli %add3A_46, %mul3A_134 : i32
      "tpu.region"() ({
        %run_scoped3A = tpu.sem_alloc : memref<!tpu.dma_semaphore, #tpu.memory_space<semaphore_mem>>
        %dma_start3A = arith.constant 0 : i32
        %dma_start3A_137 = tpu.memref_slice %arg8[%dma_start3A] : memref<32768xf32, #tpu.memory_space<vmem>> -> memref<25000xf32, #tpu.memory_space<vmem>>
        %dma_start3A_138 = tpu.memref_slice %arg9[%mul3A_135] : memref<1000064xf32, #tpu.memory_space<vmem_shared>> -> memref<25000xf32, #tpu.memory_space<vmem_shared>>
        %dma_start3A_139 = arith.constant 0 : i32
        %dma_start3A_140 = tpu.memref_slice %arg8[%dma_start3A_139] : memref<32768xf32, #tpu.memory_space<vmem>> -> memref<25000xf32, #tpu.memory_space<vmem>>
        %dma_start3A_141 = tpu.memref_slice %arg9[%mul3A_135] : memref<1000064xf32, #tpu.memory_space<vmem_shared>> -> memref<25000xf32, #tpu.memory_space<vmem_shared>>
        tpu.enqueue_dma source(%dma_start3A_141 : memref<25000xf32, #tpu.memory_space<vmem_shared>>) target(%dma_start3A_140 : memref<25000xf32, #tpu.memory_space<vmem>>) target_semaphore(%run_scoped3A : memref<!tpu.dma_semaphore, #tpu.memory_space<semaphore_mem>>)
        %dma_wait3A = arith.constant 0 : i32
        %dma_wait3A_142 = tpu.memref_slice %arg8[%dma_wait3A] : memref<32768xf32, #tpu.memory_space<vmem>> -> memref<25000xf32, #tpu.memory_space<vmem>>
        %dma_wait3A_143 = tpu.memref_slice %arg9[%mul3A_135] : memref<1000064xf32, #tpu.memory_space<vmem_shared>> -> memref<25000xf32, #tpu.memory_space<vmem_shared>>
        %dma_wait3A_144 = arith.constant 0 : i32
        %dma_wait3A_145 = tpu.memref_slice %arg8[%dma_wait3A_144] : memref<32768xf32, #tpu.memory_space<vmem>> -> memref<25000xf32, #tpu.memory_space<vmem>>
        %dma_wait3A_146 = tpu.memref_slice %arg9[%mul3A_135] : memref<1000064xf32, #tpu.memory_space<vmem_shared>> -> memref<25000xf32, #tpu.memory_space<vmem_shared>>
        tpu.wait_dma2 semaphore(%run_scoped3A : memref<!tpu.dma_semaphore, #tpu.memory_space<semaphore_mem>>) src(%dma_wait3A_146 : memref<25000xf32, #tpu.memory_space<vmem_shared>>) dst(%dma_wait3A_145 : memref<25000xf32, #tpu.memory_space<vmem>>)
        tpu.yield
      }) : () -> ()
      %add3A_136 = arith.addi %mul3A_2, %mul3A_135 : i32
      "tpu.region"() ({
        %run_scoped3A = tpu.sem_alloc : memref<!tpu.dma_semaphore, #tpu.memory_space<semaphore_mem>>
        %dma_start3A = arith.constant 0 : i32
        %dma_start3A_137 = tpu.memref_slice %arg8[%dma_start3A] : memref<32768xf32, #tpu.memory_space<vmem>> -> memref<25000xf32, #tpu.memory_space<vmem>>
        %dma_start3A_138 = tpu.memref_slice %arg5[%add3A_136] : memref<2000000xf32, #tpu.memory_space<hbm>> -> memref<25000xf32, #tpu.memory_space<hbm>>
        %dma_start3A_139 = tpu.memref_slice %arg5[%add3A_136] : memref<2000000xf32, #tpu.memory_space<hbm>> -> memref<25000xf32, #tpu.memory_space<hbm>>
        %dma_start3A_140 = arith.constant 0 : i32
        %dma_start3A_141 = tpu.memref_slice %arg8[%dma_start3A_140] : memref<32768xf32, #tpu.memory_space<vmem>> -> memref<25000xf32, #tpu.memory_space<vmem>>
        tpu.enqueue_dma source(%dma_start3A_141 : memref<25000xf32, #tpu.memory_space<vmem>>) target(%dma_start3A_139 : memref<25000xf32, #tpu.memory_space<hbm>>) target_semaphore(%run_scoped3A : memref<!tpu.dma_semaphore, #tpu.memory_space<semaphore_mem>>)
        %dma_wait3A = arith.constant 0 : i32
        %dma_wait3A_142 = tpu.memref_slice %arg8[%dma_wait3A] : memref<32768xf32, #tpu.memory_space<vmem>> -> memref<25000xf32, #tpu.memory_space<vmem>>
        %dma_wait3A_143 = tpu.memref_slice %arg5[%add3A_136] : memref<2000000xf32, #tpu.memory_space<hbm>> -> memref<25000xf32, #tpu.memory_space<hbm>>
        %dma_wait3A_144 = tpu.memref_slice %arg5[%add3A_136] : memref<2000000xf32, #tpu.memory_space<hbm>> -> memref<25000xf32, #tpu.memory_space<hbm>>
        %dma_wait3A_145 = arith.constant 0 : i32
        %dma_wait3A_146 = tpu.memref_slice %arg8[%dma_wait3A_145] : memref<32768xf32, #tpu.memory_space<vmem>> -> memref<25000xf32, #tpu.memory_space<vmem>>
        tpu.wait_dma2 semaphore(%run_scoped3A : memref<!tpu.dma_semaphore, #tpu.memory_space<semaphore_mem>>) src(%dma_wait3A_146 : memref<25000xf32, #tpu.memory_space<vmem>>) dst(%dma_wait3A_144 : memref<25000xf32, #tpu.memory_space<hbm>>)
        tpu.yield
      }) : () -> ()
    } else {
    }
    %add3A_52 = arith.constant 16 : i32
    %add3A_53 = arith.addi %add3A_52, %arg1 : i32
    %lt3A_54 = arith.constant 40 : i32
    %lt3A_55 = arith.cmpi slt, %add3A_53, %lt3A_54 : i32
    %convert_element_type3A_56 = arith.extui %lt3A_55 : i1 to i32
    %cond3A_57 = arith.constant 0 : i32
    %cond3A_58 = arith.cmpi ne, %convert_element_type3A_56, %cond3A_57 : i32
    scf.if %cond3A_58 {
      %mul3A_134 = arith.constant 25000 : i32
      %mul3A_135 = arith.muli %add3A_53, %mul3A_134 : i32
      "tpu.region"() ({
        %run_scoped3A = tpu.sem_alloc : memref<!tpu.dma_semaphore, #tpu.memory_space<semaphore_mem>>
        %dma_start3A = arith.constant 0 : i32
        %dma_start3A_137 = tpu.memref_slice %arg8[%dma_start3A] : memref<32768xf32, #tpu.memory_space<vmem>> -> memref<25000xf32, #tpu.memory_space<vmem>>
        %dma_start3A_138 = tpu.memref_slice %arg9[%mul3A_135] : memref<1000064xf32, #tpu.memory_space<vmem_shared>> -> memref<25000xf32, #tpu.memory_space<vmem_shared>>
        %dma_start3A_139 = arith.constant 0 : i32
        %dma_start3A_140 = tpu.memref_slice %arg8[%dma_start3A_139] : memref<32768xf32, #tpu.memory_space<vmem>> -> memref<25000xf32, #tpu.memory_space<vmem>>
        %dma_start3A_141 = tpu.memref_slice %arg9[%mul3A_135] : memref<1000064xf32, #tpu.memory_space<vmem_shared>> -> memref<25000xf32, #tpu.memory_space<vmem_shared>>
        tpu.enqueue_dma source(%dma_start3A_141 : memref<25000xf32, #tpu.memory_space<vmem_shared>>) target(%dma_start3A_140 : memref<25000xf32, #tpu.memory_space<vmem>>) target_semaphore(%run_scoped3A : memref<!tpu.dma_semaphore, #tpu.memory_space<semaphore_mem>>)
        %dma_wait3A = arith.constant 0 : i32
        %dma_wait3A_142 = tpu.memref_slice %arg8[%dma_wait3A] : memref<32768xf32, #tpu.memory_space<vmem>> -> memref<25000xf32, #tpu.memory_space<vmem>>
        %dma_wait3A_143 = tpu.memref_slice %arg9[%mul3A_135] : memref<1000064xf32, #tpu.memory_space<vmem_shared>> -> memref<25000xf32, #tpu.memory_space<vmem_shared>>
        %dma_wait3A_144 = arith.constant 0 : i32
        %dma_wait3A_145 = tpu.memref_slice %arg8[%dma_wait3A_144] : memref<32768xf32, #tpu.memory_space<vmem>> -> memref<25000xf32, #tpu.memory_space<vmem>>
        %dma_wait3A_146 = tpu.memref_slice %arg9[%mul3A_135] : memref<1000064xf32, #tpu.memory_space<vmem_shared>> -> memref<25000xf32, #tpu.memory_space<vmem_shared>>
        tpu.wait_dma2 semaphore(%run_scoped3A : memref<!tpu.dma_semaphore, #tpu.memory_space<semaphore_mem>>) src(%dma_wait3A_146 : memref<25000xf32, #tpu.memory_space<vmem_shared>>) dst(%dma_wait3A_145 : memref<25000xf32, #tpu.memory_space<vmem>>)
        tpu.yield
      }) : () -> ()
      %add3A_136 = arith.addi %mul3A_2, %mul3A_135 : i32
      "tpu.region"() ({
        %run_scoped3A = tpu.sem_alloc : memref<!tpu.dma_semaphore, #tpu.memory_space<semaphore_mem>>
        %dma_start3A = arith.constant 0 : i32
        %dma_start3A_137 = tpu.memref_slice %arg8[%dma_start3A] : memref<32768xf32, #tpu.memory_space<vmem>> -> memref<25000xf32, #tpu.memory_space<vmem>>
        %dma_start3A_138 = tpu.memref_slice %arg5[%add3A_136] : memref<2000000xf32, #tpu.memory_space<hbm>> -> memref<25000xf32, #tpu.memory_space<hbm>>
        %dma_start3A_139 = tpu.memref_slice %arg5[%add3A_136] : memref<2000000xf32, #tpu.memory_space<hbm>> -> memref<25000xf32, #tpu.memory_space<hbm>>
        %dma_start3A_140 = arith.constant 0 : i32
        %dma_start3A_141 = tpu.memref_slice %arg8[%dma_start3A_140] : memref<32768xf32, #tpu.memory_space<vmem>> -> memref<25000xf32, #tpu.memory_space<vmem>>
        tpu.enqueue_dma source(%dma_start3A_141 : memref<25000xf32, #tpu.memory_space<vmem>>) target(%dma_start3A_139 : memref<25000xf32, #tpu.memory_space<hbm>>) target_semaphore(%run_scoped3A : memref<!tpu.dma_semaphore, #tpu.memory_space<semaphore_mem>>)
        %dma_wait3A = arith.constant 0 : i32
        %dma_wait3A_142 = tpu.memref_slice %arg8[%dma_wait3A] : memref<32768xf32, #tpu.memory_space<vmem>> -> memref<25000xf32, #tpu.memory_space<vmem>>
        %dma_wait3A_143 = tpu.memref_slice %arg5[%add3A_136] : memref<2000000xf32, #tpu.memory_space<hbm>> -> memref<25000xf32, #tpu.memory_space<hbm>>
        %dma_wait3A_144 = tpu.memref_slice %arg5[%add3A_136] : memref<2000000xf32, #tpu.memory_space<hbm>> -> memref<25000xf32, #tpu.memory_space<hbm>>
        %dma_wait3A_145 = arith.constant 0 : i32
        %dma_wait3A_146 = tpu.memref_slice %arg8[%dma_wait3A_145] : memref<32768xf32, #tpu.memory_space<vmem>> -> memref<25000xf32, #tpu.memory_space<vmem>>
        tpu.wait_dma2 semaphore(%run_scoped3A : memref<!tpu.dma_semaphore, #tpu.memory_space<semaphore_mem>>) src(%dma_wait3A_146 : memref<25000xf32, #tpu.memory_space<vmem>>) dst(%dma_wait3A_144 : memref<25000xf32, #tpu.memory_space<hbm>>)
        tpu.yield
      }) : () -> ()
    } else {
    }
    %add3A_59 = arith.constant 32 : i32
    %add3A_60 = arith.addi %add3A_59, %arg1 : i32
    %lt3A_61 = arith.constant 40 : i32
    %lt3A_62 = arith.cmpi slt, %add3A_60, %lt3A_61 : i32
    %convert_element_type3A_63 = arith.extui %lt3A_62 : i1 to i32
    %cond3A_64 = arith.constant 0 : i32
    %cond3A_65 = arith.cmpi ne, %convert_element_type3A_63, %cond3A_64 : i32
    scf.if %cond3A_65 {
      %mul3A_134 = arith.constant 25000 : i32
      %mul3A_135 = arith.muli %add3A_60, %mul3A_134 : i32
      "tpu.region"() ({
        %run_scoped3A = tpu.sem_alloc : memref<!tpu.dma_semaphore, #tpu.memory_space<semaphore_mem>>
        %dma_start3A = arith.constant 0 : i32
        %dma_start3A_137 = tpu.memref_slice %arg8[%dma_start3A] : memref<32768xf32, #tpu.memory_space<vmem>> -> memref<25000xf32, #tpu.memory_space<vmem>>
        %dma_start3A_138 = tpu.memref_slice %arg9[%mul3A_135] : memref<1000064xf32, #tpu.memory_space<vmem_shared>> -> memref<25000xf32, #tpu.memory_space<vmem_shared>>
        %dma_start3A_139 = arith.constant 0 : i32
        %dma_start3A_140 = tpu.memref_slice %arg8[%dma_start3A_139] : memref<32768xf32, #tpu.memory_space<vmem>> -> memref<25000xf32, #tpu.memory_space<vmem>>
        %dma_start3A_141 = tpu.memref_slice %arg9[%mul3A_135] : memref<1000064xf32, #tpu.memory_space<vmem_shared>> -> memref<25000xf32, #tpu.memory_space<vmem_shared>>
        tpu.enqueue_dma source(%dma_start3A_141 : memref<25000xf32, #tpu.memory_space<vmem_shared>>) target(%dma_start3A_140 : memref<25000xf32, #tpu.memory_space<vmem>>) target_semaphore(%run_scoped3A : memref<!tpu.dma_semaphore, #tpu.memory_space<semaphore_mem>>)
        %dma_wait3A = arith.constant 0 : i32
        %dma_wait3A_142 = tpu.memref_slice %arg8[%dma_wait3A] : memref<32768xf32, #tpu.memory_space<vmem>> -> memref<25000xf32, #tpu.memory_space<vmem>>
        %dma_wait3A_143 = tpu.memref_slice %arg9[%mul3A_135] : memref<1000064xf32, #tpu.memory_space<vmem_shared>> -> memref<25000xf32, #tpu.memory_space<vmem_shared>>
        %dma_wait3A_144 = arith.constant 0 : i32
        %dma_wait3A_145 = tpu.memref_slice %arg8[%dma_wait3A_144] : memref<32768xf32, #tpu.memory_space<vmem>> -> memref<25000xf32, #tpu.memory_space<vmem>>
        %dma_wait3A_146 = tpu.memref_slice %arg9[%mul3A_135] : memref<1000064xf32, #tpu.memory_space<vmem_shared>> -> memref<25000xf32, #tpu.memory_space<vmem_shared>>
        tpu.wait_dma2 semaphore(%run_scoped3A : memref<!tpu.dma_semaphore, #tpu.memory_space<semaphore_mem>>) src(%dma_wait3A_146 : memref<25000xf32, #tpu.memory_space<vmem_shared>>) dst(%dma_wait3A_145 : memref<25000xf32, #tpu.memory_space<vmem>>)
        tpu.yield
      }) : () -> ()
      %add3A_136 = arith.addi %mul3A_2, %mul3A_135 : i32
      "tpu.region"() ({
        %run_scoped3A = tpu.sem_alloc : memref<!tpu.dma_semaphore, #tpu.memory_space<semaphore_mem>>
        %dma_start3A = arith.constant 0 : i32
        %dma_start3A_137 = tpu.memref_slice %arg8[%dma_start3A] : memref<32768xf32, #tpu.memory_space<vmem>> -> memref<25000xf32, #tpu.memory_space<vmem>>
        %dma_start3A_138 = tpu.memref_slice %arg5[%add3A_136] : memref<2000000xf32, #tpu.memory_space<hbm>> -> memref<25000xf32, #tpu.memory_space<hbm>>
        %dma_start3A_139 = tpu.memref_slice %arg5[%add3A_136] : memref<2000000xf32, #tpu.memory_space<hbm>> -> memref<25000xf32, #tpu.memory_space<hbm>>
        %dma_start3A_140 = arith.constant 0 : i32
        %dma_start3A_141 = tpu.memref_slice %arg8[%dma_start3A_140] : memref<32768xf32, #tpu.memory_space<vmem>> -> memref<25000xf32, #tpu.memory_space<vmem>>
        tpu.enqueue_dma source(%dma_start3A_141 : memref<25000xf32, #tpu.memory_space<vmem>>) target(%dma_start3A_139 : memref<25000xf32, #tpu.memory_space<hbm>>) target_semaphore(%run_scoped3A : memref<!tpu.dma_semaphore, #tpu.memory_space<semaphore_mem>>)
        %dma_wait3A = arith.constant 0 : i32
        %dma_wait3A_142 = tpu.memref_slice %arg8[%dma_wait3A] : memref<32768xf32, #tpu.memory_space<vmem>> -> memref<25000xf32, #tpu.memory_space<vmem>>
        %dma_wait3A_143 = tpu.memref_slice %arg5[%add3A_136] : memref<2000000xf32, #tpu.memory_space<hbm>> -> memref<25000xf32, #tpu.memory_space<hbm>>
        %dma_wait3A_144 = tpu.memref_slice %arg5[%add3A_136] : memref<2000000xf32, #tpu.memory_space<hbm>> -> memref<25000xf32, #tpu.memory_space<hbm>>
        %dma_wait3A_145 = arith.constant 0 : i32
        %dma_wait3A_146 = tpu.memref_slice %arg8[%dma_wait3A_145] : memref<32768xf32, #tpu.memory_space<vmem>> -> memref<25000xf32, #tpu.memory_space<vmem>>
        tpu.wait_dma2 semaphore(%run_scoped3A : memref<!tpu.dma_semaphore, #tpu.memory_space<semaphore_mem>>) src(%dma_wait3A_146 : memref<25000xf32, #tpu.memory_space<vmem>>) dst(%dma_wait3A_144 : memref<25000xf32, #tpu.memory_space<hbm>>)
        tpu.yield
      }) : () -> ()
    } else {
    }
    %scan3A_66 = arith.constant 0 : i32
    %scan3A_67 = arith.constant 0 : i32
    %scan3A_68 = arith.constant 1562 : i32
    %scan3A_69 = arith.addi %scan3A_67, %scan3A_68 : i32
    %scan3A_70 = arith.constant 1 : i32
    scf.for %scan3A_134 = %scan3A_67 to %scan3A_69 step %scan3A_70  : i32 {
      %broadcast_in_dim3A_135 = arith.constant 0.000000e+00 : f32
      %broadcast_in_dim3A_136 = vector.broadcast %broadcast_in_dim3A_135 : f32 to vector<16xf32>
      %mul3A_137 = arith.constant 16 : i32
      %mul3A_138 = arith.muli %scan3A_134, %mul3A_137 : i32
      %swap3A_139 = arith.index_cast %mul3A_138 : i32 to index
      %swap3A_140 = tpu.vector_load %arg8[%swap3A_139] {strides = array<i32>} : memref<32768xf32, #tpu.memory_space<vmem>>, vector<16xf32>,
      %swap3A_141 = vector.shape_cast %swap3A_140 : vector<16xf32> to vector<16xf32>
      %swap3A_142 = vector.shape_cast %broadcast_in_dim3A_136 : vector<16xf32> to vector<16xf32>
      tpu.vector_store %arg8[%swap3A_139], %swap3A_142 {strides = array<i32>} : memref<32768xf32, #tpu.memory_space<vmem>>, vector<16xf32>,
    }
    %scan3A_71 = arith.constant 1562 : i32
    %broadcast_in_dim3A_72 = arith.constant 0.000000e+00 : f32
    %broadcast_in_dim3A_73 = vector.broadcast %broadcast_in_dim3A_72 : f32 to vector<16xf32>
    %swap3A_74 = arith.constant 24984 : index
    %swap3A_75 = tpu.vector_load %arg8[%swap3A_74] {strides = array<i32>} : memref<32768xf32, #tpu.memory_space<vmem>>, vector<16xf32>,
    %swap3A_76 = vector.shape_cast %swap3A_75 : vector<16xf32> to vector<16xf32>
    %swap3A_77 = vector.shape_cast %broadcast_in_dim3A_73 : vector<16xf32> to vector<16xf32>
    tpu.vector_store %arg8[%swap3A_74], %swap3A_77 {strides = array<i32>} : memref<32768xf32, #tpu.memory_space<vmem>>, vector<16xf32>,
    %add3A_78 = arith.constant 0 : i32
    %add3A_79 = arith.addi %add3A_78, %arg1 : i32
    %lt3A_80 = arith.constant 40 : i32
    %lt3A_81 = arith.cmpi slt, %add3A_79, %lt3A_80 : i32
    %convert_element_type3A_82 = arith.extui %lt3A_81 : i1 to i32
    %cond3A_83 = arith.constant 0 : i32
    %cond3A_84 = arith.cmpi ne, %convert_element_type3A_82, %cond3A_83 : i32
    scf.if %cond3A_84 {
      %mul3A_134 = arith.constant 25000 : i32
      %mul3A_135 = arith.muli %add3A_79, %mul3A_134 : i32
      "tpu.region"() ({
        %run_scoped3A = tpu.sem_alloc : memref<!tpu.dma_semaphore, #tpu.memory_space<semaphore_mem>>
        %dma_start3A = arith.constant 0 : i32
        %dma_start3A_136 = tpu.memref_slice %arg8[%dma_start3A] : memref<32768xf32, #tpu.memory_space<vmem>> -> memref<25000xf32, #tpu.memory_space<vmem>>
        %dma_start3A_137 = tpu.memref_slice %arg9[%mul3A_135] : memref<1000064xf32, #tpu.memory_space<vmem_shared>> -> memref<25000xf32, #tpu.memory_space<vmem_shared>>
        %dma_start3A_138 = tpu.memref_slice %arg9[%mul3A_135] : memref<1000064xf32, #tpu.memory_space<vmem_shared>> -> memref<25000xf32, #tpu.memory_space<vmem_shared>>
        %dma_start3A_139 = arith.constant 0 : i32
        %dma_start3A_140 = tpu.memref_slice %arg8[%dma_start3A_139] : memref<32768xf32, #tpu.memory_space<vmem>> -> memref<25000xf32, #tpu.memory_space<vmem>>
        tpu.enqueue_dma source(%dma_start3A_140 : memref<25000xf32, #tpu.memory_space<vmem>>) target(%dma_start3A_138 : memref<25000xf32, #tpu.memory_space<vmem_shared>>) target_semaphore(%run_scoped3A : memref<!tpu.dma_semaphore, #tpu.memory_space<semaphore_mem>>)
        %dma_wait3A = arith.constant 0 : i32
        %dma_wait3A_141 = tpu.memref_slice %arg8[%dma_wait3A] : memref<32768xf32, #tpu.memory_space<vmem>> -> memref<25000xf32, #tpu.memory_space<vmem>>
        %dma_wait3A_142 = tpu.memref_slice %arg9[%mul3A_135] : memref<1000064xf32, #tpu.memory_space<vmem_shared>> -> memref<25000xf32, #tpu.memory_space<vmem_shared>>
        %dma_wait3A_143 = tpu.memref_slice %arg9[%mul3A_135] : memref<1000064xf32, #tpu.memory_space<vmem_shared>> -> memref<25000xf32, #tpu.memory_space<vmem_shared>>
        %dma_wait3A_144 = arith.constant 0 : i32
        %dma_wait3A_145 = tpu.memref_slice %arg8[%dma_wait3A_144] : memref<32768xf32, #tpu.memory_space<vmem>> -> memref<25000xf32, #tpu.memory_space<vmem>>
        tpu.wait_dma2 semaphore(%run_scoped3A : memref<!tpu.dma_semaphore, #tpu.memory_space<semaphore_mem>>) src(%dma_wait3A_145 : memref<25000xf32, #tpu.memory_space<vmem>>) dst(%dma_wait3A_143 : memref<25000xf32, #tpu.memory_space<vmem_shared>>)
        tpu.yield
      }) : () -> ()
    } else {
    }
    %add3A_85 = arith.constant 16 : i32
    %add3A_86 = arith.addi %add3A_85, %arg1 : i32
    %lt3A_87 = arith.constant 40 : i32
    %lt3A_88 = arith.cmpi slt, %add3A_86, %lt3A_87 : i32
    %convert_element_type3A_89 = arith.extui %lt3A_88 : i1 to i32
    %cond3A_90 = arith.constant 0 : i32
    %cond3A_91 = arith.cmpi ne, %convert_element_type3A_89, %cond3A_90 : i32
    scf.if %cond3A_91 {
      %mul3A_134 = arith.constant 25000 : i32
      %mul3A_135 = arith.muli %add3A_86, %mul3A_134 : i32
      "tpu.region"() ({
        %run_scoped3A = tpu.sem_alloc : memref<!tpu.dma_semaphore, #tpu.memory_space<semaphore_mem>>
        %dma_start3A = arith.constant 0 : i32
        %dma_start3A_136 = tpu.memref_slice %arg8[%dma_start3A] : memref<32768xf32, #tpu.memory_space<vmem>> -> memref<25000xf32, #tpu.memory_space<vmem>>
        %dma_start3A_137 = tpu.memref_slice %arg9[%mul3A_135] : memref<1000064xf32, #tpu.memory_space<vmem_shared>> -> memref<25000xf32, #tpu.memory_space<vmem_shared>>
        %dma_start3A_138 = tpu.memref_slice %arg9[%mul3A_135] : memref<1000064xf32, #tpu.memory_space<vmem_shared>> -> memref<25000xf32, #tpu.memory_space<vmem_shared>>
        %dma_start3A_139 = arith.constant 0 : i32
        %dma_start3A_140 = tpu.memref_slice %arg8[%dma_start3A_139] : memref<32768xf32, #tpu.memory_space<vmem>> -> memref<25000xf32, #tpu.memory_space<vmem>>
        tpu.enqueue_dma source(%dma_start3A_140 : memref<25000xf32, #tpu.memory_space<vmem>>) target(%dma_start3A_138 : memref<25000xf32, #tpu.memory_space<vmem_shared>>) target_semaphore(%run_scoped3A : memref<!tpu.dma_semaphore, #tpu.memory_space<semaphore_mem>>)
        %dma_wait3A = arith.constant 0 : i32
        %dma_wait3A_141 = tpu.memref_slice %arg8[%dma_wait3A] : memref<32768xf32, #tpu.memory_space<vmem>> -> memref<25000xf32, #tpu.memory_space<vmem>>
        %dma_wait3A_142 = tpu.memref_slice %arg9[%mul3A_135] : memref<1000064xf32, #tpu.memory_space<vmem_shared>> -> memref<25000xf32, #tpu.memory_space<vmem_shared>>
        %dma_wait3A_143 = tpu.memref_slice %arg9[%mul3A_135] : memref<1000064xf32, #tpu.memory_space<vmem_shared>> -> memref<25000xf32, #tpu.memory_space<vmem_shared>>
        %dma_wait3A_144 = arith.constant 0 : i32
        %dma_wait3A_145 = tpu.memref_slice %arg8[%dma_wait3A_144] : memref<32768xf32, #tpu.memory_space<vmem>> -> memref<25000xf32, #tpu.memory_space<vmem>>
        tpu.wait_dma2 semaphore(%run_scoped3A : memref<!tpu.dma_semaphore, #tpu.memory_space<semaphore_mem>>) src(%dma_wait3A_145 : memref<25000xf32, #tpu.memory_space<vmem>>) dst(%dma_wait3A_143 : memref<25000xf32, #tpu.memory_space<vmem_shared>>)
        tpu.yield
      }) : () -> ()
    } else {
    }
    %add3A_92 = arith.constant 32 : i32
    %add3A_93 = arith.addi %add3A_92, %arg1 : i32
    %lt3A_94 = arith.constant 40 : i32
    %lt3A_95 = arith.cmpi slt, %add3A_93, %lt3A_94 : i32
    %convert_element_type3A_96 = arith.extui %lt3A_95 : i1 to i32
    %cond3A_97 = arith.constant 0 : i32
    %cond3A_98 = arith.cmpi ne, %convert_element_type3A_96, %cond3A_97 : i32
    scf.if %cond3A_98 {
      %mul3A_134 = arith.constant 25000 : i32
      %mul3A_135 = arith.muli %add3A_93, %mul3A_134 : i32
      "tpu.region"() ({
        %run_scoped3A = tpu.sem_alloc : memref<!tpu.dma_semaphore, #tpu.memory_space<semaphore_mem>>
        %dma_start3A = arith.constant 0 : i32
        %dma_start3A_136 = tpu.memref_slice %arg8[%dma_start3A] : memref<32768xf32, #tpu.memory_space<vmem>> -> memref<25000xf32, #tpu.memory_space<vmem>>
        %dma_start3A_137 = tpu.memref_slice %arg9[%mul3A_135] : memref<1000064xf32, #tpu.memory_space<vmem_shared>> -> memref<25000xf32, #tpu.memory_space<vmem_shared>>
        %dma_start3A_138 = tpu.memref_slice %arg9[%mul3A_135] : memref<1000064xf32, #tpu.memory_space<vmem_shared>> -> memref<25000xf32, #tpu.memory_space<vmem_shared>>
        %dma_start3A_139 = arith.constant 0 : i32
        %dma_start3A_140 = tpu.memref_slice %arg8[%dma_start3A_139] : memref<32768xf32, #tpu.memory_space<vmem>> -> memref<25000xf32, #tpu.memory_space<vmem>>
        tpu.enqueue_dma source(%dma_start3A_140 : memref<25000xf32, #tpu.memory_space<vmem>>) target(%dma_start3A_138 : memref<25000xf32, #tpu.memory_space<vmem_shared>>) target_semaphore(%run_scoped3A : memref<!tpu.dma_semaphore, #tpu.memory_space<semaphore_mem>>)
        %dma_wait3A = arith.constant 0 : i32
        %dma_wait3A_141 = tpu.memref_slice %arg8[%dma_wait3A] : memref<32768xf32, #tpu.memory_space<vmem>> -> memref<25000xf32, #tpu.memory_space<vmem>>
        %dma_wait3A_142 = tpu.memref_slice %arg9[%mul3A_135] : memref<1000064xf32, #tpu.memory_space<vmem_shared>> -> memref<25000xf32, #tpu.memory_space<vmem_shared>>
        %dma_wait3A_143 = tpu.memref_slice %arg9[%mul3A_135] : memref<1000064xf32, #tpu.memory_space<vmem_shared>> -> memref<25000xf32, #tpu.memory_space<vmem_shared>>
        %dma_wait3A_144 = arith.constant 0 : i32
        %dma_wait3A_145 = tpu.memref_slice %arg8[%dma_wait3A_144] : memref<32768xf32, #tpu.memory_space<vmem>> -> memref<25000xf32, #tpu.memory_space<vmem>>
        tpu.wait_dma2 semaphore(%run_scoped3A : memref<!tpu.dma_semaphore, #tpu.memory_space<semaphore_mem>>) src(%dma_wait3A_145 : memref<25000xf32, #tpu.memory_space<vmem>>) dst(%dma_wait3A_143 : memref<25000xf32, #tpu.memory_space<vmem_shared>>)
        tpu.yield
      }) : () -> ()
    } else {
    }
    %scan3A_99 = arith.constant 0 : i32
    %scan3A_100 = arith.constant 0 : i32
    %scan3A_101 = arith.constant 2048 : i32
    %scan3A_102 = arith.addi %scan3A_100, %scan3A_101 : i32
    %scan3A_103 = arith.constant 1 : i32
    scf.for %scan3A_134 = %scan3A_100 to %scan3A_102 step %scan3A_103  : i32 {
      %broadcast_in_dim3A_135 = arith.constant 1.000000e+00 : f32
      %broadcast_in_dim3A_136 = vector.broadcast %broadcast_in_dim3A_135 : f32 to vector<16xf32>
      %mul3A_137 = arith.constant 16 : i32
      %mul3A_138 = arith.muli %scan3A_134, %mul3A_137 : i32
      %swap3A_139 = arith.index_cast %mul3A_138 : i32 to index
      %swap3A_140 = tpu.vector_load %arg8[%swap3A_139] {strides = array<i32>} : memref<32768xf32, #tpu.memory_space<vmem>>, vector<16xf32>,
      %swap3A_141 = vector.shape_cast %swap3A_140 : vector<16xf32> to vector<16xf32>
      %swap3A_142 = vector.shape_cast %broadcast_in_dim3A_136 : vector<16xf32> to vector<16xf32>
      tpu.vector_store %arg8[%swap3A_139], %swap3A_142 {strides = array<i32>} : memref<32768xf32, #tpu.memory_space<vmem>>, vector<16xf32>,
    }
    %scan3A_104 = arith.constant 2048 : i32
    %barrier3A_105 = arith.constant 0 : index
    tpu.barrier barrier_id(%barrier3A_105)
    %scan3A_106 = arith.constant 0 : i32
    %scan3A_107 = arith.constant 0 : i32
    %scan3A_108 = arith.constant 16 : i32
    %scan3A_109 = arith.addi %scan3A_107, %scan3A_108 : i32
    %scan3A_110 = arith.constant 1 : i32
    scf.for %scan3A_134 = %scan3A_107 to %scan3A_109 step %scan3A_110  : i32 {
      %mul3A_135 = arith.constant 2048 : i32
      %mul3A_136 = arith.muli %scan3A_134, %mul3A_135 : i32
      "tpu.region"() ({
        %run_scoped3A = tpu.sem_alloc : memref<!tpu.dma_semaphore, #tpu.memory_space<semaphore_mem>>
        %dma_start3A = tpu.memref_slice %arg8[%mul3A_136] : memref<32768xf32, #tpu.memory_space<vmem>> -> memref<2048xf32, #tpu.memory_space<vmem>>
        %dma_start3A_137 = tpu.memref_slice %arg7[%mul3A_136] : memref<32768xi32, #tpu.memory_space<vmem>> -> memref<2048xi32, #tpu.memory_space<vmem>>
        %dma_start3A_138 = arith.constant 0 : i32
        %dma_start3A_139 = tpu.memref_slice %arg9[%dma_start3A_138] : memref<1000064xf32, #tpu.memory_space<vmem_shared>> -> memref<1000064xf32, #tpu.memory_space<vmem_shared>>
        tpu.enqueue_indirect_dma source(%dma_start3A : memref<2048xf32, #tpu.memory_space<vmem>>) target(%dma_start3A_139 : memref<1000064xf32, #tpu.memory_space<vmem_shared>>) offsets(%dma_start3A_137 : memref<2048xi32, #tpu.memory_space<vmem>>) semaphore(%run_scoped3A : memref<!tpu.dma_semaphore, #tpu.memory_space<semaphore_mem>>) {add = true}
        %dma_wait3A = tpu.memref_slice %arg8[%mul3A_136] : memref<32768xf32, #tpu.memory_space<vmem>> -> memref<2048xf32, #tpu.memory_space<vmem>>
        %dma_wait3A_140 = tpu.memref_slice %arg7[%mul3A_136] : memref<32768xi32, #tpu.memory_space<vmem>> -> memref<2048xi32, #tpu.memory_space<vmem>>
        %dma_wait3A_141 = arith.constant 0 : i32
        %dma_wait3A_142 = tpu.memref_slice %arg9[%dma_wait3A_141] : memref<1000064xf32, #tpu.memory_space<vmem_shared>> -> memref<1000064xf32, #tpu.memory_space<vmem_shared>>
        tpu.wait_indirect_dma semaphore(%run_scoped3A : memref<!tpu.dma_semaphore, #tpu.memory_space<semaphore_mem>>) src(%dma_wait3A : memref<2048xf32, #tpu.memory_space<vmem>>) dst(%dma_wait3A_142 : memref<1000064xf32, #tpu.memory_space<vmem_shared>>)
        tpu.yield
      }) : () -> ()
    }
    %scan3A_111 = arith.constant 16 : i32
    %barrier3A_112 = arith.constant 0 : index
    tpu.barrier barrier_id(%barrier3A_112)
    %add3A_113 = arith.constant 0 : i32
    %add3A_114 = arith.addi %add3A_113, %arg1 : i32
    %lt3A_115 = arith.constant 40 : i32
    %lt3A_116 = arith.cmpi slt, %add3A_114, %lt3A_115 : i32
    %convert_element_type3A_117 = arith.extui %lt3A_116 : i1 to i32
    %cond3A_118 = arith.constant 0 : i32
    %cond3A_119 = arith.cmpi ne, %convert_element_type3A_117, %cond3A_118 : i32
    scf.if %cond3A_119 {
      %mul3A_134 = arith.constant 25000 : i32
      %mul3A_135 = arith.muli %add3A_114, %mul3A_134 : i32
      "tpu.region"() ({
        %run_scoped3A = tpu.sem_alloc : memref<!tpu.dma_semaphore, #tpu.memory_space<semaphore_mem>>
        %dma_start3A = arith.constant 0 : i32
        %dma_start3A_137 = tpu.memref_slice %arg8[%dma_start3A] : memref<32768xf32, #tpu.memory_space<vmem>> -> memref<25000xf32, #tpu.memory_space<vmem>>
        %dma_start3A_138 = tpu.memref_slice %arg9[%mul3A_135] : memref<1000064xf32, #tpu.memory_space<vmem_shared>> -> memref<25000xf32, #tpu.memory_space<vmem_shared>>
        %dma_start3A_139 = arith.constant 0 : i32
        %dma_start3A_140 = tpu.memref_slice %arg8[%dma_start3A_139] : memref<32768xf32, #tpu.memory_space<vmem>> -> memref<25000xf32, #tpu.memory_space<vmem>>
        %dma_start3A_141 = tpu.memref_slice %arg9[%mul3A_135] : memref<1000064xf32, #tpu.memory_space<vmem_shared>> -> memref<25000xf32, #tpu.memory_space<vmem_shared>>
        tpu.enqueue_dma source(%dma_start3A_141 : memref<25000xf32, #tpu.memory_space<vmem_shared>>) target(%dma_start3A_140 : memref<25000xf32, #tpu.memory_space<vmem>>) target_semaphore(%run_scoped3A : memref<!tpu.dma_semaphore, #tpu.memory_space<semaphore_mem>>)
        %dma_wait3A = arith.constant 0 : i32
        %dma_wait3A_142 = tpu.memref_slice %arg8[%dma_wait3A] : memref<32768xf32, #tpu.memory_space<vmem>> -> memref<25000xf32, #tpu.memory_space<vmem>>
        %dma_wait3A_143 = tpu.memref_slice %arg9[%mul3A_135] : memref<1000064xf32, #tpu.memory_space<vmem_shared>> -> memref<25000xf32, #tpu.memory_space<vmem_shared>>
        %dma_wait3A_144 = arith.constant 0 : i32
        %dma_wait3A_145 = tpu.memref_slice %arg8[%dma_wait3A_144] : memref<32768xf32, #tpu.memory_space<vmem>> -> memref<25000xf32, #tpu.memory_space<vmem>>
        %dma_wait3A_146 = tpu.memref_slice %arg9[%mul3A_135] : memref<1000064xf32, #tpu.memory_space<vmem_shared>> -> memref<25000xf32, #tpu.memory_space<vmem_shared>>
        tpu.wait_dma2 semaphore(%run_scoped3A : memref<!tpu.dma_semaphore, #tpu.memory_space<semaphore_mem>>) src(%dma_wait3A_146 : memref<25000xf32, #tpu.memory_space<vmem_shared>>) dst(%dma_wait3A_145 : memref<25000xf32, #tpu.memory_space<vmem>>)
        tpu.yield
      }) : () -> ()
      %add3A_136 = arith.addi %mul3A_2, %mul3A_135 : i32
      "tpu.region"() ({
        %run_scoped3A = tpu.sem_alloc : memref<!tpu.dma_semaphore, #tpu.memory_space<semaphore_mem>>
        %dma_start3A = arith.constant 0 : i32
        %dma_start3A_137 = tpu.memref_slice %arg8[%dma_start3A] : memref<32768xf32, #tpu.memory_space<vmem>> -> memref<25000xf32, #tpu.memory_space<vmem>>
        %dma_start3A_138 = tpu.memref_slice %arg6[%add3A_136] : memref<2000000xf32, #tpu.memory_space<hbm>> -> memref<25000xf32, #tpu.memory_space<hbm>>
        %dma_start3A_139 = tpu.memref_slice %arg6[%add3A_136] : memref<2000000xf32, #tpu.memory_space<hbm>> -> memref<25000xf32, #tpu.memory_space<hbm>>
        %dma_start3A_140 = arith.constant 0 : i32
        %dma_start3A_141 = tpu.memref_slice %arg8[%dma_start3A_140] : memref<32768xf32, #tpu.memory_space<vmem>> -> memref<25000xf32, #tpu.memory_space<vmem>>
        tpu.enqueue_dma source(%dma_start3A_141 : memref<25000xf32, #tpu.memory_space<vmem>>) target(%dma_start3A_139 : memref<25000xf32, #tpu.memory_space<hbm>>) target_semaphore(%run_scoped3A : memref<!tpu.dma_semaphore, #tpu.memory_space<semaphore_mem>>)
        %dma_wait3A = arith.constant 0 : i32
        %dma_wait3A_142 = tpu.memref_slice %arg8[%dma_wait3A] : memref<32768xf32, #tpu.memory_space<vmem>> -> memref<25000xf32, #tpu.memory_space<vmem>>
        %dma_wait3A_143 = tpu.memref_slice %arg6[%add3A_136] : memref<2000000xf32, #tpu.memory_space<hbm>> -> memref<25000xf32, #tpu.memory_space<hbm>>
        %dma_wait3A_144 = tpu.memref_slice %arg6[%add3A_136] : memref<2000000xf32, #tpu.memory_space<hbm>> -> memref<25000xf32, #tpu.memory_space<hbm>>
        %dma_wait3A_145 = arith.constant 0 : i32
        %dma_wait3A_146 = tpu.memref_slice %arg8[%dma_wait3A_145] : memref<32768xf32, #tpu.memory_space<vmem>> -> memref<25000xf32, #tpu.memory_space<vmem>>
        tpu.wait_dma2 semaphore(%run_scoped3A : memref<!tpu.dma_semaphore, #tpu.memory_space<semaphore_mem>>) src(%dma_wait3A_146 : memref<25000xf32, #tpu.memory_space<vmem>>) dst(%dma_wait3A_144 : memref<25000xf32, #tpu.memory_space<hbm>>)
        tpu.yield
      }) : () -> ()
    } else {
    }
    %add3A_120 = arith.constant 16 : i32
    %add3A_121 = arith.addi %add3A_120, %arg1 : i32
    %lt3A_122 = arith.constant 40 : i32
    %lt3A_123 = arith.cmpi slt, %add3A_121, %lt3A_122 : i32
    %convert_element_type3A_124 = arith.extui %lt3A_123 : i1 to i32
    %cond3A_125 = arith.constant 0 : i32
    %cond3A_126 = arith.cmpi ne, %convert_element_type3A_124, %cond3A_125 : i32
    scf.if %cond3A_126 {
      %mul3A_134 = arith.constant 25000 : i32
      %mul3A_135 = arith.muli %add3A_121, %mul3A_134 : i32
      "tpu.region"() ({
        %run_scoped3A = tpu.sem_alloc : memref<!tpu.dma_semaphore, #tpu.memory_space<semaphore_mem>>
        %dma_start3A = arith.constant 0 : i32
        %dma_start3A_137 = tpu.memref_slice %arg8[%dma_start3A] : memref<32768xf32, #tpu.memory_space<vmem>> -> memref<25000xf32, #tpu.memory_space<vmem>>
        %dma_start3A_138 = tpu.memref_slice %arg9[%mul3A_135] : memref<1000064xf32, #tpu.memory_space<vmem_shared>> -> memref<25000xf32, #tpu.memory_space<vmem_shared>>
        %dma_start3A_139 = arith.constant 0 : i32
        %dma_start3A_140 = tpu.memref_slice %arg8[%dma_start3A_139] : memref<32768xf32, #tpu.memory_space<vmem>> -> memref<25000xf32, #tpu.memory_space<vmem>>
        %dma_start3A_141 = tpu.memref_slice %arg9[%mul3A_135] : memref<1000064xf32, #tpu.memory_space<vmem_shared>> -> memref<25000xf32, #tpu.memory_space<vmem_shared>>
        tpu.enqueue_dma source(%dma_start3A_141 : memref<25000xf32, #tpu.memory_space<vmem_shared>>) target(%dma_start3A_140 : memref<25000xf32, #tpu.memory_space<vmem>>) target_semaphore(%run_scoped3A : memref<!tpu.dma_semaphore, #tpu.memory_space<semaphore_mem>>)
        %dma_wait3A = arith.constant 0 : i32
        %dma_wait3A_142 = tpu.memref_slice %arg8[%dma_wait3A] : memref<32768xf32, #tpu.memory_space<vmem>> -> memref<25000xf32, #tpu.memory_space<vmem>>
        %dma_wait3A_143 = tpu.memref_slice %arg9[%mul3A_135] : memref<1000064xf32, #tpu.memory_space<vmem_shared>> -> memref<25000xf32, #tpu.memory_space<vmem_shared>>
        %dma_wait3A_144 = arith.constant 0 : i32
        %dma_wait3A_145 = tpu.memref_slice %arg8[%dma_wait3A_144] : memref<32768xf32, #tpu.memory_space<vmem>> -> memref<25000xf32, #tpu.memory_space<vmem>>
        %dma_wait3A_146 = tpu.memref_slice %arg9[%mul3A_135] : memref<1000064xf32, #tpu.memory_space<vmem_shared>> -> memref<25000xf32, #tpu.memory_space<vmem_shared>>
        tpu.wait_dma2 semaphore(%run_scoped3A : memref<!tpu.dma_semaphore, #tpu.memory_space<semaphore_mem>>) src(%dma_wait3A_146 : memref<25000xf32, #tpu.memory_space<vmem_shared>>) dst(%dma_wait3A_145 : memref<25000xf32, #tpu.memory_space<vmem>>)
        tpu.yield
      }) : () -> ()
      %add3A_136 = arith.addi %mul3A_2, %mul3A_135 : i32
      "tpu.region"() ({
        %run_scoped3A = tpu.sem_alloc : memref<!tpu.dma_semaphore, #tpu.memory_space<semaphore_mem>>
        %dma_start3A = arith.constant 0 : i32
        %dma_start3A_137 = tpu.memref_slice %arg8[%dma_start3A] : memref<32768xf32, #tpu.memory_space<vmem>> -> memref<25000xf32, #tpu.memory_space<vmem>>
        %dma_start3A_138 = tpu.memref_slice %arg6[%add3A_136] : memref<2000000xf32, #tpu.memory_space<hbm>> -> memref<25000xf32, #tpu.memory_space<hbm>>
        %dma_start3A_139 = tpu.memref_slice %arg6[%add3A_136] : memref<2000000xf32, #tpu.memory_space<hbm>> -> memref<25000xf32, #tpu.memory_space<hbm>>
        %dma_start3A_140 = arith.constant 0 : i32
        %dma_start3A_141 = tpu.memref_slice %arg8[%dma_start3A_140] : memref<32768xf32, #tpu.memory_space<vmem>> -> memref<25000xf32, #tpu.memory_space<vmem>>
        tpu.enqueue_dma source(%dma_start3A_141 : memref<25000xf32, #tpu.memory_space<vmem>>) target(%dma_start3A_139 : memref<25000xf32, #tpu.memory_space<hbm>>) target_semaphore(%run_scoped3A : memref<!tpu.dma_semaphore, #tpu.memory_space<semaphore_mem>>)
        %dma_wait3A = arith.constant 0 : i32
        %dma_wait3A_142 = tpu.memref_slice %arg8[%dma_wait3A] : memref<32768xf32, #tpu.memory_space<vmem>> -> memref<25000xf32, #tpu.memory_space<vmem>>
        %dma_wait3A_143 = tpu.memref_slice %arg6[%add3A_136] : memref<2000000xf32, #tpu.memory_space<hbm>> -> memref<25000xf32, #tpu.memory_space<hbm>>
        %dma_wait3A_144 = tpu.memref_slice %arg6[%add3A_136] : memref<2000000xf32, #tpu.memory_space<hbm>> -> memref<25000xf32, #tpu.memory_space<hbm>>
        %dma_wait3A_145 = arith.constant 0 : i32
        %dma_wait3A_146 = tpu.memref_slice %arg8[%dma_wait3A_145] : memref<32768xf32, #tpu.memory_space<vmem>> -> memref<25000xf32, #tpu.memory_space<vmem>>
        tpu.wait_dma2 semaphore(%run_scoped3A : memref<!tpu.dma_semaphore, #tpu.memory_space<semaphore_mem>>) src(%dma_wait3A_146 : memref<25000xf32, #tpu.memory_space<vmem>>) dst(%dma_wait3A_144 : memref<25000xf32, #tpu.memory_space<hbm>>)
        tpu.yield
      }) : () -> ()
    } else {
    }
    %add3A_127 = arith.constant 32 : i32
    %add3A_128 = arith.addi %add3A_127, %arg1 : i32
    %lt3A_129 = arith.constant 40 : i32
    %lt3A_130 = arith.cmpi slt, %add3A_128, %lt3A_129 : i32
    %convert_element_type3A_131 = arith.extui %lt3A_130 : i1 to i32
    %cond3A_132 = arith.constant 0 : i32
    %cond3A_133 = arith.cmpi ne, %convert_element_type3A_131, %cond3A_132 : i32
    scf.if %cond3A_133 {
      %mul3A_134 = arith.constant 25000 : i32
      %mul3A_135 = arith.muli %add3A_128, %mul3A_134 : i32
      "tpu.region"() ({
        %run_scoped3A = tpu.sem_alloc : memref<!tpu.dma_semaphore, #tpu.memory_space<semaphore_mem>>
        %dma_start3A = arith.constant 0 : i32
        %dma_start3A_137 = tpu.memref_slice %arg8[%dma_start3A] : memref<32768xf32, #tpu.memory_space<vmem>> -> memref<25000xf32, #tpu.memory_space<vmem>>
        %dma_start3A_138 = tpu.memref_slice %arg9[%mul3A_135] : memref<1000064xf32, #tpu.memory_space<vmem_shared>> -> memref<25000xf32, #tpu.memory_space<vmem_shared>>
        %dma_start3A_139 = arith.constant 0 : i32
        %dma_start3A_140 = tpu.memref_slice %arg8[%dma_start3A_139] : memref<32768xf32, #tpu.memory_space<vmem>> -> memref<25000xf32, #tpu.memory_space<vmem>>
        %dma_start3A_141 = tpu.memref_slice %arg9[%mul3A_135] : memref<1000064xf32, #tpu.memory_space<vmem_shared>> -> memref<25000xf32, #tpu.memory_space<vmem_shared>>
        tpu.enqueue_dma source(%dma_start3A_141 : memref<25000xf32, #tpu.memory_space<vmem_shared>>) target(%dma_start3A_140 : memref<25000xf32, #tpu.memory_space<vmem>>) target_semaphore(%run_scoped3A : memref<!tpu.dma_semaphore, #tpu.memory_space<semaphore_mem>>)
        %dma_wait3A = arith.constant 0 : i32
        %dma_wait3A_142 = tpu.memref_slice %arg8[%dma_wait3A] : memref<32768xf32, #tpu.memory_space<vmem>> -> memref<25000xf32, #tpu.memory_space<vmem>>
        %dma_wait3A_143 = tpu.memref_slice %arg9[%mul3A_135] : memref<1000064xf32, #tpu.memory_space<vmem_shared>> -> memref<25000xf32, #tpu.memory_space<vmem_shared>>
        %dma_wait3A_144 = arith.constant 0 : i32
        %dma_wait3A_145 = tpu.memref_slice %arg8[%dma_wait3A_144] : memref<32768xf32, #tpu.memory_space<vmem>> -> memref<25000xf32, #tpu.memory_space<vmem>>
        %dma_wait3A_146 = tpu.memref_slice %arg9[%mul3A_135] : memref<1000064xf32, #tpu.memory_space<vmem_shared>> -> memref<25000xf32, #tpu.memory_space<vmem_shared>>
        tpu.wait_dma2 semaphore(%run_scoped3A : memref<!tpu.dma_semaphore, #tpu.memory_space<semaphore_mem>>) src(%dma_wait3A_146 : memref<25000xf32, #tpu.memory_space<vmem_shared>>) dst(%dma_wait3A_145 : memref<25000xf32, #tpu.memory_space<vmem>>)
        tpu.yield
      }) : () -> ()
      %add3A_136 = arith.addi %mul3A_2, %mul3A_135 : i32
      "tpu.region"() ({
        %run_scoped3A = tpu.sem_alloc : memref<!tpu.dma_semaphore, #tpu.memory_space<semaphore_mem>>
        %dma_start3A = arith.constant 0 : i32
        %dma_start3A_137 = tpu.memref_slice %arg8[%dma_start3A] : memref<32768xf32, #tpu.memory_space<vmem>> -> memref<25000xf32, #tpu.memory_space<vmem>>
        %dma_start3A_138 = tpu.memref_slice %arg6[%add3A_136] : memref<2000000xf32, #tpu.memory_space<hbm>> -> memref<25000xf32, #tpu.memory_space<hbm>>
        %dma_start3A_139 = tpu.memref_slice %arg6[%add3A_136] : memref<2000000xf32, #tpu.memory_space<hbm>> -> memref<25000xf32, #tpu.memory_space<hbm>>
        %dma_start3A_140 = arith.constant 0 : i32
        %dma_start3A_141 = tpu.memref_slice %arg8[%dma_start3A_140] : memref<32768xf32, #tpu.memory_space<vmem>> -> memref<25000xf32, #tpu.memory_space<vmem>>
        tpu.enqueue_dma source(%dma_start3A_141 : memref<25000xf32, #tpu.memory_space<vmem>>) target(%dma_start3A_139 : memref<25000xf32, #tpu.memory_space<hbm>>) target_semaphore(%run_scoped3A : memref<!tpu.dma_semaphore, #tpu.memory_space<semaphore_mem>>)
        %dma_wait3A = arith.constant 0 : i32
        %dma_wait3A_142 = tpu.memref_slice %arg8[%dma_wait3A] : memref<32768xf32, #tpu.memory_space<vmem>> -> memref<25000xf32, #tpu.memory_space<vmem>>
        %dma_wait3A_143 = tpu.memref_slice %arg6[%add3A_136] : memref<2000000xf32, #tpu.memory_space<hbm>> -> memref<25000xf32, #tpu.memory_space<hbm>>
        %dma_wait3A_144 = tpu.memref_slice %arg6[%add3A_136] : memref<2000000xf32, #tpu.memory_space<hbm>> -> memref<25000xf32, #tpu.memory_space<hbm>>
        %dma_wait3A_145 = arith.constant 0 : i32
        %dma_wait3A_146 = tpu.memref_slice %arg8[%dma_wait3A_145] : memref<32768xf32, #tpu.memory_space<vmem>> -> memref<25000xf32, #tpu.memory_space<vmem>>
        tpu.wait_dma2 semaphore(%run_scoped3A : memref<!tpu.dma_semaphore, #tpu.memory_space<semaphore_mem>>) src(%dma_wait3A_146 : memref<25000xf32, #tpu.memory_space<vmem>>) dst(%dma_wait3A_144 : memref<25000xf32, #tpu.memory_space<hbm>>)
        tpu.yield
      }) : () -> ()
    } else {
    }
    return
  }
}

module attributes {stable_mosaic.version = 14 : i64} {
  func.func @_norm_body(%arg0: i32, %arg1: memref<1024x128xf32, #tpu.memory_space<vmem>>, %arg2: memref<1024x128xf32, #tpu.memory_space<vmem>>, %arg3: memref<1024x128xi32, #tpu.memory_space<vmem>>, %arg4: memref<1024x128xi32, #tpu.memory_space<vmem>>, %arg5: memref<1024x128xf32, #tpu.memory_space<vmem>>, %arg6: memref<1024x128xi32, #tpu.memory_space<vmem>>, %arg7: memref<1024x128xi32, #tpu.memory_space<vmem>>) attributes {dimension_semantics = [#tpu.dimension_semantics<arbitrary>], iteration_bounds = array<i64: 4>, scalar_prefetch = 0 : i64, scratch_operands = 0 : i64, tpu.core_type = #tpu.core_type<tc>, window_params = [{transform_indices = @transform_0, window_bounds = array<i64: 1024, 128>}, {transform_indices = @transform_1, window_bounds = array<i64: 1024, 128>}, {transform_indices = @transform_2, window_bounds = array<i64: 1024, 128>}, {transform_indices = @transform_3, window_bounds = array<i64: 1024, 128>}, {transform_indices = @transform_4, window_bounds = array<i64: 1024, 128>}, {transform_indices = @transform_5, window_bounds = array<i64: 1024, 128>}, {transform_indices = @transform_6, window_bounds = array<i64: 1024, 128>}]} {
    %get3A = arith.constant 0 : index
    %get3A_0 = arith.constant 0 : index
    %get3A_1 = vector.load %arg1[%get3A, %get3A_0] : memref<1024x128xf32, #tpu.memory_space<vmem>>, vector<1024x128xf32>
    %get3A_2 = arith.constant 0 : index
    %get3A_3 = arith.constant 0 : index
    %get3A_4 = vector.load %arg2[%get3A_2, %get3A_3] : memref<1024x128xf32, #tpu.memory_space<vmem>>, vector<1024x128xf32>
    %get3A_5 = arith.constant 0 : index
    %get3A_6 = arith.constant 0 : index
    %get3A_7 = vector.load %arg3[%get3A_5, %get3A_6] : memref<1024x128xi32, #tpu.memory_space<vmem>>, vector<1024x128xi32>
    %get3A_8 = arith.constant dense<0> : vector<1024x128xi32>
    %get3A_9 = arith.cmpi ne, %get3A_7, %get3A_8 : vector<1024x128xi32>
    %get3A_10 = arith.constant 0 : index
    %get3A_11 = arith.constant 0 : index
    %get3A_12 = vector.load %arg4[%get3A_10, %get3A_11] : memref<1024x128xi32, #tpu.memory_space<vmem>>, vector<1024x128xi32>
    %mul3A = arith.mulf %get3A_1, %get3A_1 : vector<1024x128xf32>
    %mul3A_13 = arith.mulf %get3A_4, %get3A_4 : vector<1024x128xf32>
    %add3A = arith.addf %mul3A, %mul3A_13 : vector<1024x128xf32>
    %sqrt3A = math.sqrt %add3A : vector<1024x128xf32>
    %convert_element_type3A = arith.extui %get3A_9 : vector<1024x128xi1> to vector<1024x128xi32>
    %convert_element_type3A_14 = arith.sitofp %convert_element_type3A : vector<1024x128xi32> to vector<1024x128xf32>
    %mul3A_15 = arith.mulf %sqrt3A, %convert_element_type3A_14 : vector<1024x128xf32>
    %swap3A = arith.constant 0 : index
    %swap3A_16 = arith.constant 0 : index
    %swap3A_17 = vector.load %arg5[%swap3A, %swap3A_16] : memref<1024x128xf32, #tpu.memory_space<vmem>>, vector<1024x128xf32>
    tpu.vector_store %arg5[%swap3A, %swap3A_16], %mul3A_15 {strides = array<i32>} : memref<1024x128xf32, #tpu.memory_space<vmem>>, vector<1024x128xf32>,
    %iota3A = tpu.iota {dimensions = array<i32: 1>} : vector<1024x128xi32>
    %jit3A = arith.constant 64 : i32
    %eq3A = arith.constant 0 : i32
    %eq3A_18 = arith.cmpi eq, %jit3A, %eq3A : i32
    %jit3A_19 = arith.constant 1 : i32
    %select_n3A = arith.select %eq3A_18, %jit3A_19, %jit3A : i32
    %rem3A = vector.broadcast %select_n3A : i32 to vector<1024x128xi32>
    %rem3A_20 = arith.remsi %iota3A, %rem3A : vector<1024x128xi32>
    %ne3A = arith.constant 0 : i32
    %ne3A_21 = vector.broadcast %ne3A : i32 to vector<1024x128xi32>
    %ne3A_22 = arith.cmpi ne, %rem3A_20, %ne3A_21 : vector<1024x128xi32>
    %lt3A = arith.constant 0 : i32
    %lt3A_23 = vector.broadcast %lt3A : i32 to vector<1024x128xi32>
    %lt3A_24 = arith.cmpi slt, %rem3A_20, %lt3A_23 : vector<1024x128xi32>
    %lt3A_25 = arith.constant 0 : i32
    %lt3A_26 = arith.cmpi slt, %select_n3A, %lt3A_25 : i32
    %ne3A_27 = vector.broadcast %lt3A_26 : i1 to vector<1024x128xi1>
    %ne3A_28 = vector.broadcast %ne3A_27 : vector<1024x128xi1> to vector<1024x128xi1>
    %ne3A_29 = arith.xori %lt3A_24, %ne3A_28 : vector<1024x128xi1>
    %and3A = arith.andi %ne3A_29, %ne3A_22 : vector<1024x128xi1>
    %add3A_30 = vector.broadcast %select_n3A : i32 to vector<1024x128xi32>
    %add3A_31 = arith.addi %rem3A_20, %add3A_30 : vector<1024x128xi32>
    %select_n3A_32 = arith.select %and3A, %add3A_31, %rem3A_20 : vector<1024x128xi1>, vector<1024x128xi32>
    %add3A_33 = arith.constant 1000000 : i32
    %add3A_34 = vector.broadcast %add3A_33 : i32 to vector<1024x128xi32>
    %add3A_35 = arith.addi %add3A_34, %select_n3A_32 : vector<1024x128xi32>
    %lt3A_36 = arith.constant 1000000 : i32
    %lt3A_37 = vector.broadcast %lt3A_36 : i32 to vector<1024x128xi32>
    %lt3A_38 = arith.cmpi slt, %get3A_12, %lt3A_37 : vector<1024x128xi32>
    %and3A_39 = arith.andi %get3A_9, %lt3A_38 : vector<1024x128xi1>
    %select_n3A_40 = arith.select %and3A_39, %get3A_12, %add3A_35 : vector<1024x128xi1>, vector<1024x128xi32>
    %swap3A_41 = arith.constant 0 : index
    %swap3A_42 = arith.constant 0 : index
    %swap3A_43 = vector.load %arg6[%swap3A_41, %swap3A_42] : memref<1024x128xi32, #tpu.memory_space<vmem>>, vector<1024x128xi32>
    tpu.vector_store %arg6[%swap3A_41, %swap3A_42], %select_n3A_40 {strides = array<i32>} : memref<1024x128xi32, #tpu.memory_space<vmem>>, vector<1024x128xi32>,
    %ge3A = arith.constant 1000000 : i32
    %ge3A_44 = vector.broadcast %ge3A : i32 to vector<1024x128xi32>
    %ge3A_45 = arith.cmpi sge, %get3A_12, %ge3A_44 : vector<1024x128xi32>
    %and3A_46 = arith.andi %get3A_9, %ge3A_45 : vector<1024x128xi1>
    %sub3A = arith.constant 1000000 : i32
    %sub3A_47 = vector.broadcast %sub3A : i32 to vector<1024x128xi32>
    %sub3A_48 = arith.subi %get3A_12, %sub3A_47 : vector<1024x128xi32>
    %select_n3A_49 = arith.select %and3A_46, %sub3A_48, %add3A_35 : vector<1024x128xi1>, vector<1024x128xi32>
    %swap3A_50 = arith.constant 0 : index
    %swap3A_51 = arith.constant 0 : index
    %swap3A_52 = vector.load %arg7[%swap3A_50, %swap3A_51] : memref<1024x128xi32, #tpu.memory_space<vmem>>, vector<1024x128xi32>
    tpu.vector_store %arg7[%swap3A_50, %swap3A_51], %select_n3A_49 {strides = array<i32>} : memref<1024x128xi32, #tpu.memory_space<vmem>>, vector<1024x128xi32>,
    return
  }
  func.func @transform_0(%arg0: i32) -> (i32, i32) {
    %c0_i32 = arith.constant 0 : i32
    %c0_i32_0 = arith.constant 0 : i32
    return %arg0, %c0_i32 : i32, i32
  }
  func.func @transform_1(%arg0: i32) -> (i32, i32) {
    %c0_i32 = arith.constant 0 : i32
    %c0_i32_0 = arith.constant 0 : i32
    return %arg0, %c0_i32 : i32, i32
  }
  func.func @transform_2(%arg0: i32) -> (i32, i32) {
    %c0_i32 = arith.constant 0 : i32
    %c0_i32_0 = arith.constant 0 : i32
    return %arg0, %c0_i32 : i32, i32
  }
  func.func @transform_3(%arg0: i32) -> (i32, i32) {
    %c0_i32 = arith.constant 0 : i32
    %c0_i32_0 = arith.constant 0 : i32
    return %arg0, %c0_i32 : i32, i32
  }
  func.func @transform_4(%arg0: i32) -> (i32, i32) {
    %c0_i32 = arith.constant 0 : i32
    %c0_i32_0 = arith.constant 0 : i32
    return %arg0, %c0_i32 : i32, i32
  }
  func.func @transform_5(%arg0: i32) -> (i32, i32) {
    %c0_i32 = arith.constant 0 : i32
    %c0_i32_0 = arith.constant 0 : i32
    return %arg0, %c0_i32 : i32, i32
  }
  func.func @transform_6(%arg0: i32) -> (i32, i32) {
    %c0_i32 = arith.constant 0 : i32
    %c0_i32_0 = arith.constant 0 : i32
    return %arg0, %c0_i32 : i32, i32
  }
}

</mosaic_0001>

<sc_bundles>
// kernel: kernel.4.cloned.1.call-start
scs
__scs_entry_jumppad:
0x0: {  	(pc) =	sbr.rel $0x88, $3  }
0x1: {  	(tag) =	ssettag $0x0;
	lr =	simm.s32 $0x1  }
0x2: {  	[smem:$0x3F9C] =	sst lr;
	_ =	strace $0xD0000000  }
0x3: {  	_ = 	snop  }
0x4: {  	_ = 	snop  }
0x5: {  	_ = 	snop  }
0x6: {  	_ = 	snop  }
0x7: {  	_ = 	snop  }
__scs_overlays_trampoline_lowered:
0x8: {  	[smem:$0x3FAB] =	sst s0  }
0x9: {  	[smem:$0x3FAC] =	sst s1  }
0xa: {  	[smem:$0x3FAD] =	sst s2  }
0xb: {  	[smem:$0x3FAE] =	sst s3  }
0xc: {  	[smem:$0x3FAF] =	sst s4  }
0xd: {  	[smem:$0x3FB0] =	sst s5  }
0xe: {  	[smem:$0x3FB1] =	sst s6  }
0xf: {  	[smem:$0x3FB2] =	sst s7  }
0x10: {  	[smem:$0x3FB3] =	sst s8  }
0x11: {  	[smem:$0x3FB4] =	sst s9;
	s0 =	simm.s32 @!p0 $0x0  }
0x12: {  	s1 =	sld [smem:$0x3F9A];
	s0 =	simm.s32 @p0 $0x1  }
0x13: {  	[smem:$0x3FB5] =	sst s0;
	s0 =	simm.s32 @!p1 $0x0  }
0x14: {  	s2 =	sld [smem:$0x3F99];
	s0 =	simm.s32 @p1 $0x1  }
0x15: {  	[smem:$0x3FB6] =	sst s0;
	s0 =	simm.s32 @!p2 $0x0  }
0x16: {  	s3 =	sld [smem:$0x3FDB];
	s0 =	simm.s32 @p2 $0x1  }
0x17: {  	s4 =	simm.s32 $0x1BF5;
	[smem:$0x3FB8] =	sst s0  }
0x18: {  	s0 =	sld [smem:$0x3F9B];
	_ =	swait.ge [sflag:s4], $0x0  }
0x19: {  	s7 =	sld [smem:$0x3F9C]  }
0x1a: {  	s8 =	sadd.s32 $0xFFFFE003, lr  }
0x1b: {  	s9 =	sadd.s32 $0xFFFFFEF7, lr;
	s5 =	simm.s32 $0xFFFFFFFF;
	p2 =	slt.u32 s8, $0xFFFFF086  }
0x1c: {  	p1 =	slt.u32 s9, $0xF7A;
	s5 =	simm.s32 @!p2 $0x0  }
0x1d: {  	s5 =	simm.s32 @p1 $0x1;
	p0 =	seq.s32 s7, s2  }
0x1e: {  	s7 =	smul.u32 @!p0 $0xF7A, s2;
	p2 =	seq.s32 @!p0 s5, $0x0  }
0x1f: {  	s9 =	smul.u32 $0xF7A, s1;
	s8 =	simm.s32 @!p0 $0x1BF5;
	p2 =	por !p2, p0  }
0x20: {  	[sflag:s8] =	ssyncset.s32 @!p0 $0xFFFFF086;
	s6 =	sadd.s32 @!p0 s3, s7;
	s7 =	simm.s32 @!p0 $0x108  }
0x21: {  	s3 =	sadd.s32 s3, s9;
	s6 =	sadd.s32 @!p0 $0x88, s6;
	s7 =	simm.s32 @p2 $0x1082  }
0x22: {  	[simem:s7], [sflag:s8] =	dma.local @!p0 [hbm:s6], $0xF7A  }
0x23: {  	s9 =	sor.u32 $0xD0000000, s2;
	s6 =	simm.s32 $0x108;
	_ =	swait.ge @!p0 [sflag:s8], $0x0  }
0x24: {  	s3 =	sadd.s32 $0x88, s3;
	s6 =	simm.s32 @!p1 $0x1082;
	[sflag:s4] =	ssyncset.s32 $0xFFFFF086  }
0x25: {  	[simem:s6], [sflag:s4] =	dma.local [hbm:s3], $0xF7A  }
0x26: {  	[smem:$0x3F9C] =	sst s1;
	(tag) =	ssettag s2;
	_ =	strace s9  }
0x27: {  	s1 =	sld [smem:$0x3FAC]  }
0x28: {  	s2 =	sld [smem:$0x3FAD]  }
0x29: {  	s4 =	sld [smem:$0x3FAF]  }
0x2a: {  	p0 =	seq.s32 s5, $0x0;
	s5 =	sld [smem:$0x3FB0]  }
0x2b: {  	s6 =	sld [smem:$0x3FB1]  }
0x2c: {  	s7 =	sld [smem:$0x3FB2]  }
0x2d: {  	s3 =	simm.s32 $0x108;
	s8 =	sld [smem:$0x3FB3]  }
0x2e: {  	s3 =	simm.s32 @!p0 $0x1082;
	s9 =	sld [smem:$0x3FB4]  }
0x2f: {  	lr =	sadd.s32 s0, s3;
	s0 =	sld [smem:$0x3FAB]  }
0x30: {  	s3 =	sld [smem:$0x3FAE]  }
0x31: {  	[smem:$0x3FB7] =	sst s10  }
0x32: {  	s10 =	sld [smem:$0x3FB5];
	_ =	sdelay $0x3  }
0x33: {  	p0 =	seq.s32 s10, $0x1;
	s10 =	sld [smem:$0x3FB7];
	_ =	sdelay $0x3  }
0x34: {  	[smem:$0x3FB7] =	sst s10  }
0x35: {  	s10 =	sld [smem:$0x3FB6];
	_ =	sdelay $0x3  }
0x36: {  	p1 =	seq.s32 s10, $0x1;
	s10 =	sld [smem:$0x3FB7];
	_ =	sdelay $0x3  }
0x37: {  	[smem:$0x3FB7] =	sst s10  }
0x38: {  	s10 =	sld [smem:$0x3FB8]  }
0x39: {  	_ = 	snop;
	(pc) =	sbr.ind lr, $3  }
0x3a: {  	_ = 	snop  }
0x3b: {  	_ = 	snop  }
0x3c: {  	p2 =	seq.s32 s10, $0x1;
	s10 =	sld [smem:$0x3FB7]  }
0x3d: {  	_ =	shalt  }
0x3e: {  	_ =	shalt  }
0x3f: {  	_ =	shalt  }
0x40: {  	_ =	shalt  }
0x41: {  	_ =	shalt  }
0x42: {  	_ =	shalt  }
0x43: {  	_ =	shalt  }
0x44: {  	_ =	shalt  }
0x45: {  	_ =	shalt  }
0x46: {  	_ =	shalt  }
0x47: {  	_ =	shalt  }
0x48: {  	_ =	shalt  }
0x49: {  	_ =	shalt  }
0x4a: {  	_ =	shalt  }
0x4b: {  	_ =	shalt  }
0x4c: {  	_ =	shalt  }
0x4d: {  	_ =	shalt  }
0x4e: {  	_ =	shalt  }
0x4f: {  	_ =	shalt  }
0x50: {  	_ =	shalt  }
0x51: {  	_ =	shalt  }
0x52: {  	_ =	shalt  }
0x53: {  	_ =	shalt  }
0x54: {  	_ =	shalt  }
0x55: {  	_ =	shalt  }
0x56: {  	_ =	shalt  }
0x57: {  	_ =	shalt  }
0x58: {  	_ =	shalt  }
0x59: {  	_ =	shalt  }
0x5a: {  	_ =	shalt  }
0x5b: {  	_ =	shalt  }
0x5c: {  	_ =	shalt  }
0x5d: {  	_ =	shalt  }
0x5e: {  	_ =	shalt  }
0x5f: {  	_ =	shalt  }
0x60: {  	_ =	shalt  }
0x61: {  	_ =	shalt  }
0x62: {  	_ =	shalt  }
0x63: {  	_ =	shalt  }
0x64: {  	_ =	shalt  }
0x65: {  	_ =	shalt  }
0x66: {  	_ =	shalt  }
0x67: {  	_ =	shalt  }
0x68: {  	_ =	shalt  }
0x69: {  	_ =	shalt  }
0x6a: {  	_ =	shalt  }
0x6b: {  	_ =	shalt  }
0x6c: {  	_ =	shalt  }
0x6d: {  	_ =	shalt  }
0x6e: {  	_ =	shalt  }
0x6f: {  	_ =	shalt  }
0x70: {  	_ =	shalt  }
0x71: {  	_ =	shalt  }
0x72: {  	_ =	shalt  }
0x73: {  	_ =	shalt  }
0x74: {  	_ =	shalt  }
0x75: {  	_ =	shalt  }
0x76: {  	_ =	shalt  }
0x77: {  	_ =	shalt  }
0x78: {  	_ =	shalt  }
0x79: {  	_ =	shalt  }
0x7a: {  	_ =	shalt  }
0x7b: {  	_ =	shalt  }
0x7c: {  	_ =	shalt  }
0x7d: {  	_ =	shalt  }
0x7e: {  	_ =	shalt  }
0x7f: {  	_ =	shalt  }
0x80: {  	_ =	shalt  }
0x81: {  	_ =	shalt  }
0x82: {  	_ =	shalt  }
0x83: {  	_ =	shalt  }
0x84: {  	_ =	shalt  }
0x85: {  	_ =	shalt  }
0x86: {  	_ =	shalt  }
0x87: {  	_ =	shalt  }
.Lfunc_end0:
.L_simem_size_0:
called_computation_lowered:
.L_overlay_start_0:
0x88: {  	s2 =	sld [smem:$0x3FD9]  }
0x89: {  	s3 =	sld [smem:$0x3FFE];
	_ =	sdelay $0x1  }
0x8a: {  	s1 =	srdreg.scid  }
0x8b: {  	s0 =	sand.u32 $0x1, s1  }
0x8c: {  	s17 =	sshll.u32 s0, $0xA;
	s2 =	sadd.s32 s3, s2  }
0x8d: {  	s2 =	sadd.s32 s2, s17  }
0x8e: {  	[smem:$0x3FC3] =	sst s2  }
0x8f: {  	_ = 	snop  }
0x90: {  	s2 =	sld [smem:$0x3FD0];
	(tm) =	ssettm $0x1  }
0x91: {  	s18 =	sld [smem:$0x3FFB];
	_ =	sdelay $0x3  }
0x92: {  	_ =	strace s18  }
0x93: {  	s3 =	sld [smem:$0x3FFC];
	_ =	sdelay $0x3  }
0x94: {  	_ =	strace s3  }
0x95: {  	s3 =	sld [smem:$0x3FFD];
	_ =	sdelay $0x3  }
0x96: {  	_ =	strace s3  }
0x97: {  	_ =	strace $0x8FFFFFFF  }
0x98: {  	s19 =	sld [smem:$0x3FDB];
	_ =	sdelay $0x1  }
0x99: {  	s4 =	simm.s32 $_scs_section_size  }
0x9a: {  	s5 =	simm.s32 $_size__tile_overlayer_lowered;
	s6 =	simm.s32 $_tile_overlayer_lowered  }
0x9b: {  	s22 =	simm.s32 $0x1BFF;
	s21 =	sshll.u32 s6, $0x1;
	s3 =	sadd.s32 s4, s19  }
0x9c: {  	s7 =	simm.s32 $0x0;
	s20 =	sshll.u32 s5, $0x1;
	s5 =	sadd.s32 s21, s3  }
0x9d: {  	[timem:s7], [sflag:s22] =	dma.local [hbm:s5], s20  }
0x9e: {  	_ =	swait.ge [sflag:s22], s20  }
0x9f: {  	s4 =	ssub.s32 $0x0, s20;
	[sflag:s22] =	ssyncset.done $0x0  }
0xa0: {  	[sflag:s22] =	ssyncadd.s32 s4;
	_ =	sdelay $0x1  }
0xa1: {  	s23 =	simm.s32 $0x1B8B  }
0xa2: {  	_ =	swait.ge [sflag:s23], $0x1  }
0xa3: {  	[sflag:s23] =	ssyncset.done $0x0  }
0xa4: {  	s25 =	simm.s32 $0x1B8E;
	s24 =	sld [smem:$0x3FFE];
	[sflag:s23] =	ssyncadd.s32 $0xFFFFFFFF  }
0xa5: {  	s26 =	simm.s32 $execute0_lowered;
	[smem:$0x3FD2] =	sst s25  }
0xa6: {  	s5 =	sshll.u32 s26, $0x1;
	_ =	strace $0x80000046;
	[dreg:$0x1] =	wrdreg $0xFFFFFFFF  }
0xa7: {  	s28 =	simm.s32 $_size_execute0_lowered;
	s3 =	sadd.s32 s3, s5;
	[dreg:$0x0] =	wrdreg $0x0  }
0xa8: {  	s5 =	sshll.u32 s28, $0x1;
	[dreg:$0x2] =	wrdreg s3  }
0xa9: {  	[dreg:$0x3] =	wrdreg s5  }
0xaa: {  	[dreg:$0x4] =	wrdreg $0xC0  }
0xab: {  	_ =	task [dreg:s7], $0x5FFFF  }
0xac: {  	[dreg:$0x1] =	wrdreg $0xFFFFFFFF  }
0xad: {  	[dreg:$0x0] =	wrdreg $0x60  }
0xae: {  	[dreg:$0x2] =	wrdreg s24  }
0xaf: {  	[dreg:$0x3] =	wrdreg s2  }
0xb0: {  	[dreg:$0x4] =	wrdreg $0x100000  }
0xb1: {  	[dreg:$0x5] =	wrdreg $0x9  }
0xb2: {  	_ =	task.clear_ibuf [dreg:s7], $0x6FFFF;
	_ =	strace $0x90000046  }
0xb3: {  	s29 =	simm.s32 $0x9;
	_ =	strace $0x80000048  }
0xb4: {  	_ =	swait.ge [sflag:s29], $0x1  }
0xb5: {  	[sflag:s29] =	ssyncadd.s32 $0xFFFFFFFF  }
0xb6: {  	_ =	strace $0x90000048  }
0xb7: {  	_ =	sfence  }
0xb8: {  	s30 =	sld [smem:$0x0];
	_ =	sdelay $0x2  }
0xb9: {  	s31 =	sshll.u32 s1, $0xD;
	s1 =	sshrl.u32 s1, $0x2  }
0xba: {  	s3 =	sand.u32 $0x4000, s31;
	s1 =	sadd.s32 s1, s30  }
0xbb: {  	s0 =	sor.u32 s3, s0;
	s1 =	sshll.u32 s1, $0x11  }
0xbc: {  	s0 =	sor.u32 s1, s0  }
0xbd: {  	s0 =	sadd.s32 $0x8F2B, s0  }
0xbe: {  	[sflag:s0] =	ssyncadd.remote.s32 $0x1  }
0xbf: {  	_ =	sfence.sel $0xFFFF  }
0xc0: {  	[dreg:$0x0] =	wrdreg $0xFFFFFFFF;
	(pc) =	sbr.abs _section_cstart, $3  }
0xc1: {  	[dreg:$0x1] =	wrdreg $0xFFFFFFFF  }
0xc2: {  	_ =	task.clear_ibuf [dreg:s7], $0x2FFFF;
	_ =	strace $0x9FFFFFFF  }
0xc3: {  	(tm) =	ssettm $0x7FFFFFFF  }
tec
execute0_lowered:
.L_overlay_start_1:
0x0: {  	(tag) =	ssettag $0x1  }
0x1: {  	s0 =	rddreg [dreg:$0x0]  }
0x2: {  	s1 =	rddreg [dreg:$0x1]  }
0x3: {  	s2 =	rddreg [dreg:$0x2];
	s3 =	simm.s32 $0x0;
	s16 =	stileid.u32  }
0x4: {  	s4 =	srdreg.scid;
	s28 =	simm.s32 $0x7000;
	s29 =	simm.s32 $0xF000  }
0x5: {  	s30 =	simm.s32 $0x7800;
	s31 =	simm.s32 $0xF800;
	s6 =	smul.u32 $0x186A0, s16  }
0x6: {  	[smem:$0x7FF] =	sst s3;
	s4 =	sand.u32 $0x1, s4;
	s18 =	smul.u32 $0x61A8, s16  }
0x7: {  	s5 =	sshll.u32 s16, $0xC;
	s8 =	sor.u32 $0x10, s16;
	s9 =	smul.u32 $0xF4240, s4  }
0x8: {  	s12 =	sor.u32 $0x20, s16;
	_ =	strace $0x80000047;
	s11 =	smul.u32 $0x186A0, s8  }
0x9: {  	s7 =	sadd.s32 s5, s0;
	s0 =	sadd.s32 $0x31800, s0;
	s14 =	smul.u32 $0x186A0, s12  }
0xa: {  	s13 =	ssub.s32 $0x2, s4;
	p0 =	seq.s32 s4, $0x1;
	s12 =	smul.u32 $0x61A8, s12  }
0xb: {  	s10 =	sshrl.u32 s13, $0x1;
	s15 =	sshrl.u32 s6, $0x2;
	s21 =	sadd.s32 $0x11800, s7  }
0xc: {  	s13 =	ssub.s32 s13, s10;
	s17 =	sshrl.u32 s11, $0x2;
	s4 =	sadd.s32 s15, s2  }
0xd: {  	s19 =	sshrl.u32 s14, $0x2;
	s20 =	sadd.s32 s18, s9;
	s14 =	smul.u32 $0x61A8, s8  }
0xe: {  	[dreg:$0x4] =	wrdreg s21;
	s8 =	sadd.s32 s18, s2;
	s21 =	simm.s32 $0x800  }
0xf: {  	s18 =	simm.s32 $0xD800;
	s5 =	sadd.s32 s17, s2;
	s6 =	sadd.s32 s19, s2  }
0x10: {  	s15 =	sshrl.u32 s20, $0x3;
	s25 =	smax.u32 s13, $0x1;
	s19 =	simm.s32 $0x1  }
0x11: {  	s20 =	simm.s32 $0x8000;
	s13 =	simm.s32 $0xC000;
	s17 =	simm.s32 $0xD000  }
0x12: {  	s10 =	sadd.s32 s1, s15;
	s22 =	sadd.s32 s9, s14;
	s9 =	sadd.s32 s9, s12  }
0x13: {  	s12 =	sadd.s32 s12, s2;
	s24 =	sadd.s32 s0, s15;
	[dreg:$0xb] =	wrdreg s25  }
0x14: {  	s15 =	simm.s32 $0xC800;
	s25 =	simm.s32 $0x6800;
	[dreg:$0x5] =	wrdreg s10  }
0x15: {  	s10 =	sadd.s32 s14, s2;
	s11 =	sshrl.u32 s22, $0x3;
	s9 =	sshrl.u32 s9, $0x3  }
0x16: {  	[dreg:$0x8] =	wrdreg s24;
	s14 =	simm.s32 $0x4800;
	s23 =	sadd.s32 s1, s11  }
0x17: {  	s22 =	simm.s32 $0x5800;
	s1 =	sadd.s32 s1, s9;
	[dreg:$0x6] =	wrdreg s23  }
0x18: {  	s24 =	simm.s32 $0xE000;
	s11 =	sadd.s32 s0, s11;
	[dreg:$0x7] =	wrdreg s1  }
0x19: {  	s0 =	sadd.s32 s0, s9;
	s1 =	simm.s32 $0x21800;
	[dreg:$0x9] =	wrdreg s11  }
0x1a: {  	[dreg:$0xa] =	wrdreg s0;
	s23 =	simm.s32 $0x6000;
	s1 =	simm.s32 @!p0 $0x1800  }
0x1b: {  	s0 =	simm.s32 $0x0;
	p0 =	sgt.u32 s16, $0x7;
	s26 =	sadd.s32 s1, s7  }
0x1c: {  	v0 =	vimm.f32 $0.0e+00;
	v1 =	vimm.f32 $1.000000000e+00;
	s16 =	simm.s32 $0x5000;
	[dreg:$0xc] =	wrdreg s26;
	s26 =	simm.s32 $0xE800  }
.LBB2_1:
0x1d: {  	s1 =	rddreg [dreg:$0xc]  }
0x1e: {  	[tilespmem:s3], [sflag:$0x1] =	stream.linear.gather [hbm4b:s1+s3], $0x8000, $0x38;
	[tilespmem:$0x1F428] =	vst v63  }
0x1f: {  	_ =	swait.ge [sflag:s19], $0x8000  }
0x20: {  	[sflag:s19] =	ssyncset.done $0x0  }
0x21: {  	s7 =	simm.s32 $0x0;
	s1 =	simm.s32 $0x40;
	[sflag:s19] =	ssyncadd.s32 $0xFFFF8000  }
.LBB2_2:
0x22: {  	p1 =	sne.s32 s1, $0x18640;
	[tilespmem:s7+$0x8000] =	vst v0;
	s7 =	smov.u32 s1;
	s1 =	sadd.s32 $0x40, s1  }
.Ltmp0:
0x23: {  	(pc) =	sbr.rel @p1 .LBB2_2-.Ltmp0, $2  }
0x24: {  	_ =	sdelay $0x2  }
0x25: {  	s7 =	sshra.s32 s7, $0x2  }
0x26: {  	[tilespmem:s7+$0x8000] =	vst v0  }
0x27: {  	[tilespmem:$0xE198] =	vst v0  }
0x28: {  	[spmem:s4] =	stream.linear.scatter [tilespmem:s20], [sflag:$0x1], $0x61A8, $0x38;
	[tilespmem:$0x1F428] =	vst v63  }
0x29: {  	_ =	swait.ge [sflag:s19], $0x61A8  }
0x2a: {  	[sflag:s19] =	ssyncset.done $0x0  }
0x2b: {  	[sflag:s19] =	ssyncadd.s32 $0xFFFF9E58  }
0x2c: {  	[spmem:s5] =	stream.linear.scatter [tilespmem:s20], [sflag:$0x1], $0x61A8, $0x38;
	[tilespmem:$0x1F428] =	vst v63  }
0x2d: {  	_ =	swait.ge [sflag:s19], $0x61A8  }
0x2e: {  	[sflag:s19] =	ssyncset.done $0x0  }
0x2f: {  	s7 =	simm.s32 @!p0 $0x8000;
	s1 =	simm.s32 @!p0 $0x1;
	[sflag:s19] =	ssyncadd.s32 $0xFFFF9E58  }
0x30: {  	[spmem:s6] =	stream.linear.scatter @!p0 [tilespmem:s7], [sflag:$0x1], $0x61A8, $0x38;
	[tilespmem:$0x1F428] =	vst v63  }
0x31: {  	_ =	swait.ge @!p0 [sflag:s1], $0x61A8  }
0x32: {  	[sflag:s1] =	ssyncset.done @!p0 $0x0  }
0x33: {  	s9 =	rddreg [dreg:$0x4];
	[sflag:s1] =	ssyncadd.s32 @!p0 $0xFFFF9E58  }
0x34: {  	[tilespmem:s20], [sflag:$0x1] =	stream.linear.gather [hbm4b:s9+s3], $0x8000, $0x38;
	[tilespmem:$0x1F428] =	vst v63  }
0x35: {  	_ =	swait.ge [sflag:s19], $0x8000  }
0x36: {  	[sflag:s19] =	ssyncset.done $0x0  }
0x37: {  	[sflag:s19] =	ssyncadd.s32 $0xFFFF8000  }
0x38: {  	[bflag:$0x0] =	sbarrier.arrive $0xFFFF  }
0x39: {  	[spmem:s2] =	stream.indirect.scatter.add.f32 [tilespmem:s20], [sflag:$0x1], $0x1, s3, s21, $0xb8;
	[tilespmem:$0x1F428] =	vst v63  }
0x3a: {  	_ =	swait.ge [sflag:s19], $0x800  }
0x3b: {  	[sflag:s19] =	ssyncset.done $0x0  }
0x3c: {  	s11 =	simm.s32 $0x8800;
	[sflag:s19] =	ssyncadd.s32 $0xFFFFF800  }
0x3d: {  	[spmem:s2] =	stream.indirect.scatter.add.f32 [tilespmem:s11], [sflag:$0x1], $0x1, s21, s21, $0xb8;
	[tilespmem:$0x1F428] =	vst v63  }
0x3e: {  	_ =	swait.ge [sflag:s19], $0x800  }
0x3f: {  	[sflag:s19] =	ssyncset.done $0x0  }
0x40: {  	s9 =	simm.s32 $0x1000;
	s11 =	simm.s32 $0x9000;
	[sflag:s19] =	ssyncadd.s32 $0xFFFFF800  }
0x41: {  	[spmem:s2] =	stream.indirect.scatter.add.f32 [tilespmem:s11], [sflag:$0x1], $0x1, s9, s21, $0xb8;
	[tilespmem:$0x1F428] =	vst v63  }
0x42: {  	_ =	swait.ge [sflag:s19], $0x800  }
0x43: {  	[sflag:s19] =	ssyncset.done $0x0  }
0x44: {  	s9 =	simm.s32 $0x1800;
	s11 =	simm.s32 $0x9800;
	[sflag:s19] =	ssyncadd.s32 $0xFFFFF800  }
0x45: {  	[spmem:s2] =	stream.indirect.scatter.add.f32 [tilespmem:s11], [sflag:$0x1], $0x1, s9, s21, $0xb8;
	[tilespmem:$0x1F428] =	vst v63  }
0x46: {  	_ =	swait.ge [sflag:s19], $0x800  }
0x47: {  	[sflag:s19] =	ssyncset.done $0x0  }
0x48: {  	s9 =	simm.s32 $0x2000;
	s11 =	simm.s32 $0xA000;
	[sflag:s19] =	ssyncadd.s32 $0xFFFFF800  }
0x49: {  	[spmem:s2] =	stream.indirect.scatter.add.f32 [tilespmem:s11], [sflag:$0x1], $0x1, s9, s21, $0xb8;
	[tilespmem:$0x1F428] =	vst v63  }
0x4a: {  	_ =	swait.ge [sflag:s19], $0x800  }
0x4b: {  	[sflag:s19] =	ssyncset.done $0x0  }
0x4c: {  	s9 =	simm.s32 $0x2800;
	s11 =	simm.s32 $0xA800;
	[sflag:s19] =	ssyncadd.s32 $0xFFFFF800  }
0x4d: {  	[spmem:s2] =	stream.indirect.scatter.add.f32 [tilespmem:s11], [sflag:$0x1], $0x1, s9, s21, $0xb8;
	[tilespmem:$0x1F428] =	vst v63  }
0x4e: {  	_ =	swait.ge [sflag:s19], $0x800  }
0x4f: {  	[sflag:s19] =	ssyncset.done $0x0  }
0x50: {  	s9 =	simm.s32 $0x3000;
	s11 =	simm.s32 $0xB000;
	[sflag:s19] =	ssyncadd.s32 $0xFFFFF800  }
0x51: {  	[spmem:s2] =	stream.indirect.scatter.add.f32 [tilespmem:s11], [sflag:$0x1], $0x1, s9, s21, $0xb8;
	[tilespmem:$0x1F428] =	vst v63  }
0x52: {  	_ =	swait.ge [sflag:s19], $0x800  }
0x53: {  	[sflag:s19] =	ssyncset.done $0x0  }
0x54: {  	s9 =	simm.s32 $0x3800;
	s11 =	simm.s32 $0xB800;
	[sflag:s19] =	ssyncadd.s32 $0xFFFFF800  }
0x55: {  	[spmem:s2] =	stream.indirect.scatter.add.f32 [tilespmem:s11], [sflag:$0x1], $0x1, s9, s21, $0xb8;
	[tilespmem:$0x1F428] =	vst v63  }
0x56: {  	_ =	swait.ge [sflag:s19], $0x800  }
0x57: {  	[sflag:s19] =	ssyncset.done $0x0  }
0x58: {  	s11 =	simm.s32 $0x4000;
	[sflag:s19] =	ssyncadd.s32 $0xFFFFF800  }
0x59: {  	[spmem:s2] =	stream.indirect.scatter.add.f32 [tilespmem:s13], [sflag:$0x1], $0x1, s11, s21, $0xb8;
	[tilespmem:$0x1F428] =	vst v63  }
0x5a: {  	_ =	swait.ge [sflag:s19], $0x800  }
0x5b: {  	[sflag:s19] =	ssyncset.done $0x0  }
0x5c: {  	[sflag:s19] =	ssyncadd.s32 $0xFFFFF800  }
0x5d: {  	[spmem:s2] =	stream.indirect.scatter.add.f32 [tilespmem:s15], [sflag:$0x1], $0x1, s14, s21, $0xb8;
	[tilespmem:$0x1F428] =	vst v63  }
0x5e: {  	_ =	swait.ge [sflag:s19], $0x800  }
0x5f: {  	[sflag:s19] =	ssyncset.done $0x0  }
0x60: {  	[sflag:s19] =	ssyncadd.s32 $0xFFFFF800  }
0x61: {  	[spmem:s2] =	stream.indirect.scatter.add.f32 [tilespmem:s17], [sflag:$0x1], $0x1, s16, s21, $0xb8;
	[tilespmem:$0x1F428] =	vst v63  }
0x62: {  	_ =	swait.ge [sflag:s19], $0x800  }
0x63: {  	[sflag:s19] =	ssyncset.done $0x0  }
0x64: {  	[sflag:s19] =	ssyncadd.s32 $0xFFFFF800  }
0x65: {  	[spmem:s2] =	stream.indirect.scatter.add.f32 [tilespmem:s18], [sflag:$0x1], $0x1, s22, s21, $0xb8;
	[tilespmem:$0x1F428] =	vst v63  }
0x66: {  	_ =	swait.ge [sflag:s19], $0x800  }
0x67: {  	[sflag:s19] =	ssyncset.done $0x0  }
0x68: {  	[sflag:s19] =	ssyncadd.s32 $0xFFFFF800  }
0x69: {  	[spmem:s2] =	stream.indirect.scatter.add.f32 [tilespmem:s24], [sflag:$0x1], $0x1, s23, s21, $0xb8;
	[tilespmem:$0x1F428] =	vst v63  }
0x6a: {  	_ =	swait.ge [sflag:s19], $0x800  }
0x6b: {  	[sflag:s19] =	ssyncset.done $0x0  }
0x6c: {  	[sflag:s19] =	ssyncadd.s32 $0xFFFFF800  }
0x6d: {  	[spmem:s2] =	stream.indirect.scatter.add.f32 [tilespmem:s26], [sflag:$0x1], $0x1, s25, s21, $0xb8;
	[tilespmem:$0x1F428] =	vst v63  }
0x6e: {  	_ =	swait.ge [sflag:s19], $0x800  }
0x6f: {  	[sflag:s19] =	ssyncset.done $0x0  }
0x70: {  	[sflag:s19] =	ssyncadd.s32 $0xFFFFF800  }
0x71: {  	[spmem:s2] =	stream.indirect.scatter.add.f32 [tilespmem:s29], [sflag:$0x1], $0x1, s28, s21, $0xb8;
	[tilespmem:$0x1F428] =	vst v63  }
0x72: {  	_ =	swait.ge [sflag:s19], $0x800  }
0x73: {  	[sflag:s19] =	ssyncset.done $0x0  }
0x74: {  	[sflag:s19] =	ssyncadd.s32 $0xFFFFF800  }
0x75: {  	[spmem:s2] =	stream.indirect.scatter.add.f32 [tilespmem:s31], [sflag:$0x1], $0x1, s30, s21, $0xb8;
	[tilespmem:$0x1F428] =	vst v63  }
0x76: {  	_ =	swait.ge [sflag:s19], $0x800  }
0x77: {  	[sflag:s19] =	ssyncset.done $0x0  }
0x78: {  	[sflag:s19] =	ssyncadd.s32 $0xFFFFF800  }
0x79: {  	[bflag:$0x0] =	sbarrier.arrive $0xFFFF  }
0x7a: {  	[tilespmem:s20], [sflag:$0x1] =	stream.linear.gather [spmem:s8], $0x61A8, $0x38;
	[tilespmem:$0x1F428] =	vst v63  }
0x7b: {  	_ =	swait.ge [sflag:s19], $0x61A8  }
0x7c: {  	[sflag:s19] =	ssyncset.done $0x0  }
0x7d: {  	s11 =	rddreg [dreg:$0x5];
	[sflag:s19] =	ssyncadd.s32 $0xFFFF9E58  }
0x7e: {  	[hbm4b:s11+s3] =	stream.linear.scatter [tilespmem:s20], [sflag:$0x1], $0x61A8, $0x38;
	[tilespmem:$0x1F428] =	vst v63  }
0x7f: {  	_ =	swait.ge [sflag:s19], $0x61A8  }
0x80: {  	[sflag:s19] =	ssyncset.done $0x0  }
0x81: {  	[sflag:s19] =	ssyncadd.s32 $0xFFFF9E58  }
0x82: {  	[tilespmem:s20], [sflag:$0x1] =	stream.linear.gather [spmem:s10], $0x61A8, $0x38;
	[tilespmem:$0x1F428] =	vst v63  }
0x83: {  	_ =	swait.ge [sflag:s19], $0x61A8  }
0x84: {  	[sflag:s19] =	ssyncset.done $0x0  }
0x85: {  	s11 =	rddreg [dreg:$0x6];
	[sflag:s19] =	ssyncadd.s32 $0xFFFF9E58  }
0x86: {  	[hbm4b:s11+s3] =	stream.linear.scatter [tilespmem:s20], [sflag:$0x1], $0x61A8, $0x38;
	[tilespmem:$0x1F428] =	vst v63  }
0x87: {  	_ =	swait.ge [sflag:s19], $0x61A8  }
0x88: {  	[sflag:s19] =	ssyncset.done $0x0  }
0x89: {  	[sflag:s19] =	ssyncadd.s32 $0xFFFF9E58  }
0x8a: {  	[tilespmem:s7], [sflag:$0x1] =	stream.linear.gather @!p0 [spmem:s12], $0x61A8, $0x38;
	[tilespmem:$0x1F428] =	vst v63  }
0x8b: {  	_ =	swait.ge @!p0 [sflag:s1], $0x61A8  }
0x8c: {  	[sflag:s1] =	ssyncset.done @!p0 $0x0  }
0x8d: {  	s9 =	simm.s32 @!p0 $0x0;
	s11 =	rddreg [dreg:$0x7];
	[sflag:s1] =	ssyncadd.s32 @!p0 $0xFFFF9E58  }
0x8e: {  	[hbm4b:s11+s9] =	stream.linear.scatter @!p0 [tilespmem:s7], [sflag:$0x1], $0x61A8, $0x38;
	[tilespmem:$0x1F428] =	vst v63  }
0x8f: {  	_ =	swait.ge @!p0 [sflag:s1], $0x61A8  }
0x90: {  	[sflag:s1] =	ssyncset.done @!p0 $0x0  }
0x91: {  	s7 =	simm.s32 $0x0;
	[sflag:s1] =	ssyncadd.s32 @!p0 $0xFFFF9E58;
	s1 =	simm.s32 $0x40  }
.LBB2_4:
0x92: {  	p1 =	sne.s32 s1, $0x18640;
	[tilespmem:s7+$0x8000] =	vst v0;
	s7 =	smov.u32 s1;
	s1 =	sadd.s32 $0x40, s1  }
.Ltmp1:
0x93: {  	(pc) =	sbr.rel @p1 .LBB2_4-.Ltmp1, $2  }
0x94: {  	_ =	sdelay $0x2  }
0x95: {  	s7 =	sshra.s32 s7, $0x2  }
0x96: {  	[tilespmem:s7+$0x8000] =	vst v0  }
0x97: {  	[tilespmem:$0xE198] =	vst v0  }
0x98: {  	[spmem:s4] =	stream.linear.scatter [tilespmem:s20], [sflag:$0x1], $0x61A8, $0x38;
	[tilespmem:$0x1F428] =	vst v63  }
0x99: {  	_ =	swait.ge [sflag:s19], $0x61A8  }
0x9a: {  	[sflag:s19] =	ssyncset.done $0x0  }
0x9b: {  	[sflag:s19] =	ssyncadd.s32 $0xFFFF9E58  }
0x9c: {  	[spmem:s5] =	stream.linear.scatter [tilespmem:s20], [sflag:$0x1], $0x61A8, $0x38;
	[tilespmem:$0x1F428] =	vst v63  }
0x9d: {  	_ =	swait.ge [sflag:s19], $0x61A8  }
0x9e: {  	[sflag:s19] =	ssyncset.done $0x0  }
0x9f: {  	s1 =	simm.s32 @!p0 $0x8000;
	[sflag:s19] =	ssyncadd.s32 $0xFFFF9E58  }
0xa0: {  	[spmem:s6] =	stream.linear.scatter @!p0 [tilespmem:s1], [sflag:$0x1], $0x61A8, $0x38;
	[tilespmem:$0x1F428] =	vst v63  }
0xa1: {  	s1 =	simm.s32 @!p0 $0x1  }
0xa2: {  	_ =	swait.ge @!p0 [sflag:s1], $0x61A8  }
0xa3: {  	[sflag:s1] =	ssyncset.done @!p0 $0x0  }
0xa4: {  	s7 =	simm.s32 $0x0;
	[sflag:s1] =	ssyncadd.s32 @!p0 $0xFFFF9E58;
	s1 =	simm.s32 $0x40  }
.LBB2_6:
0xa5: {  	p1 =	sne.s32 s1, $0x1FFC0;
	[tilespmem:s7+$0x8000] =	vst v1;
	s7 =	smov.u32 s1;
	s1 =	sadd.s32 $0x40, s1  }
.Ltmp2:
0xa6: {  	(pc) =	sbr.rel @p1 .LBB2_6-.Ltmp2, $2  }
0xa7: {  	_ =	sdelay $0x2  }
0xa8: {  	s7 =	sshra.s32 s7, $0x2  }
0xa9: {  	[tilespmem:s7+$0x8000] =	vst v1  }
0xaa: {  	[bflag:$0x0] =	sbarrier.arrive $0xFFFF  }
0xab: {  	[spmem:s2] =	stream.indirect.scatter.add.f32 [tilespmem:s20], [sflag:$0x1], $0x1, s3, s21, $0xb8;
	[tilespmem:$0x1F428] =	vst v63  }
0xac: {  	_ =	swait.ge [sflag:s19], $0x800  }
0xad: {  	[sflag:s19] =	ssyncset.done $0x0  }
0xae: {  	s1 =	simm.s32 $0x8800;
	[sflag:s19] =	ssyncadd.s32 $0xFFFFF800  }
0xaf: {  	[spmem:s2] =	stream.indirect.scatter.add.f32 [tilespmem:s1], [sflag:$0x1], $0x1, s21, s21, $0xb8;
	[tilespmem:$0x1F428] =	vst v63  }
0xb0: {  	_ =	swait.ge [sflag:s19], $0x800  }
0xb1: {  	[sflag:s19] =	ssyncset.done $0x0  }
0xb2: {  	s9 =	simm.s32 $0x1000;
	s11 =	simm.s32 $0x9000;
	[sflag:s19] =	ssyncadd.s32 $0xFFFFF800  }
0xb3: {  	[spmem:s2] =	stream.indirect.scatter.add.f32 [tilespmem:s11], [sflag:$0x1], $0x1, s9, s21, $0xb8;
	[tilespmem:$0x1F428] =	vst v63  }
0xb4: {  	_ =	swait.ge [sflag:s19], $0x800  }
0xb5: {  	[sflag:s19] =	ssyncset.done $0x0  }
0xb6: {  	s9 =	simm.s32 $0x1800;
	s11 =	simm.s32 $0x9800;
	[sflag:s19] =	ssyncadd.s32 $0xFFFFF800  }
0xb7: {  	[spmem:s2] =	stream.indirect.scatter.add.f32 [tilespmem:s11], [sflag:$0x1], $0x1, s9, s21, $0xb8;
	[tilespmem:$0x1F428] =	vst v63  }
0xb8: {  	_ =	swait.ge [sflag:s19], $0x800  }
0xb9: {  	[sflag:s19] =	ssyncset.done $0x0  }
0xba: {  	s9 =	simm.s32 $0x2000;
	s11 =	simm.s32 $0xA000;
	[sflag:s19] =	ssyncadd.s32 $0xFFFFF800  }
0xbb: {  	[spmem:s2] =	stream.indirect.scatter.add.f32 [tilespmem:s11], [sflag:$0x1], $0x1, s9, s21, $0xb8;
	[tilespmem:$0x1F428] =	vst v63  }
0xbc: {  	_ =	swait.ge [sflag:s19], $0x800  }
0xbd: {  	[sflag:s19] =	ssyncset.done $0x0  }
0xbe: {  	s9 =	simm.s32 $0x2800;
	s11 =	simm.s32 $0xA800;
	[sflag:s19] =	ssyncadd.s32 $0xFFFFF800  }
0xbf: {  	[spmem:s2] =	stream.indirect.scatter.add.f32 [tilespmem:s11], [sflag:$0x1], $0x1, s9, s21, $0xb8;
	[tilespmem:$0x1F428] =	vst v63  }
0xc0: {  	_ =	swait.ge [sflag:s19], $0x800  }
0xc1: {  	[sflag:s19] =	ssyncset.done $0x0  }
0xc2: {  	s9 =	simm.s32 $0x3000;
	s11 =	simm.s32 $0xB000;
	[sflag:s19] =	ssyncadd.s32 $0xFFFFF800  }
0xc3: {  	[spmem:s2] =	stream.indirect.scatter.add.f32 [tilespmem:s11], [sflag:$0x1], $0x1, s9, s21, $0xb8;
	[tilespmem:$0x1F428] =	vst v63  }
0xc4: {  	_ =	swait.ge [sflag:s19], $0x800  }
0xc5: {  	[sflag:s19] =	ssyncset.done $0x0  }
0xc6: {  	s7 =	simm.s32 $0x3800;
	s9 =	simm.s32 $0xB800;
	[sflag:s19] =	ssyncadd.s32 $0xFFFFF800  }
0xc7: {  	[spmem:s2] =	stream.indirect.scatter.add.f32 [tilespmem:s9], [sflag:$0x1], $0x1, s7, s21, $0xb8;
	[tilespmem:$0x1F428] =	vst v63  }
0xc8: {  	_ =	swait.ge [sflag:s19], $0x800  }
0xc9: {  	[sflag:s19] =	ssyncset.done $0x0  }
0xca: {  	s11 =	simm.s32 $0x4000;
	[sflag:s19] =	ssyncadd.s32 $0xFFFFF800  }
0xcb: {  	[spmem:s2] =	stream.indirect.scatter.add.f32 [tilespmem:s13], [sflag:$0x1], $0x1, s11, s21, $0xb8;
	[tilespmem:$0x1F428] =	vst v63  }
0xcc: {  	_ =	swait.ge [sflag:s19], $0x800  }
0xcd: {  	[sflag:s19] =	ssyncset.done $0x0  }
0xce: {  	[sflag:s19] =	ssyncadd.s32 $0xFFFFF800  }
0xcf: {  	[spmem:s2] =	stream.indirect.scatter.add.f32 [tilespmem:s15], [sflag:$0x1], $0x1, s14, s21, $0xb8;
	[tilespmem:$0x1F428] =	vst v63  }
0xd0: {  	_ =	swait.ge [sflag:s19], $0x800  }
0xd1: {  	[sflag:s19] =	ssyncset.done $0x0  }
0xd2: {  	[sflag:s19] =	ssyncadd.s32 $0xFFFFF800  }
0xd3: {  	[spmem:s2] =	stream.indirect.scatter.add.f32 [tilespmem:s17], [sflag:$0x1], $0x1, s16, s21, $0xb8;
	[tilespmem:$0x1F428] =	vst v63  }
0xd4: {  	_ =	swait.ge [sflag:s19], $0x800  }
0xd5: {  	[sflag:s19] =	ssyncset.done $0x0  }
0xd6: {  	[sflag:s19] =	ssyncadd.s32 $0xFFFFF800  }
0xd7: {  	[spmem:s2] =	stream.indirect.scatter.add.f32 [tilespmem:s18], [sflag:$0x1], $0x1, s22, s21, $0xb8;
	[tilespmem:$0x1F428] =	vst v63  }
0xd8: {  	_ =	swait.ge [sflag:s19], $0x800  }
0xd9: {  	[sflag:s19] =	ssyncset.done $0x0  }
0xda: {  	[sflag:s19] =	ssyncadd.s32 $0xFFFFF800  }
0xdb: {  	[spmem:s2] =	stream.indirect.scatter.add.f32 [tilespmem:s24], [sflag:$0x1], $0x1, s23, s21, $0xb8;
	[tilespmem:$0x1F428] =	vst v63  }
0xdc: {  	_ =	swait.ge [sflag:s19], $0x800  }
0xdd: {  	[sflag:s19] =	ssyncset.done $0x0  }
0xde: {  	[sflag:s19] =	ssyncadd.s32 $0xFFFFF800  }
0xdf: {  	[spmem:s2] =	stream.indirect.scatter.add.f32 [tilespmem:s26], [sflag:$0x1], $0x1, s25, s21, $0xb8;
	[tilespmem:$0x1F428] =	vst v63  }
0xe0: {  	_ =	swait.ge [sflag:s19], $0x800  }
0xe1: {  	[sflag:s19] =	ssyncset.done $0x0  }
0xe2: {  	[sflag:s19] =	ssyncadd.s32 $0xFFFFF800  }
0xe3: {  	[spmem:s2] =	stream.indirect.scatter.add.f32 [tilespmem:s29], [sflag:$0x1], $0x1, s28, s21, $0xb8;
	[tilespmem:$0x1F428] =	vst v63  }
0xe4: {  	_ =	swait.ge [sflag:s19], $0x800  }
0xe5: {  	[sflag:s19] =	ssyncset.done $0x0  }
0xe6: {  	[sflag:s19] =	ssyncadd.s32 $0xFFFFF800  }
0xe7: {  	[spmem:s2] =	stream.indirect.scatter.add.f32 [tilespmem:s31], [sflag:$0x1], $0x1, s30, s21, $0xb8;
	[tilespmem:$0x1F428] =	vst v63  }
0xe8: {  	_ =	swait.ge [sflag:s19], $0x800  }
0xe9: {  	[sflag:s19] =	ssyncset.done $0x0  }
0xea: {  	[sflag:s19] =	ssyncadd.s32 $0xFFFFF800  }
0xeb: {  	[bflag:$0x0] =	sbarrier.arrive $0xFFFF  }
0xec: {  	[tilespmem:s20], [sflag:$0x1] =	stream.linear.gather [spmem:s8], $0x61A8, $0x38;
	[tilespmem:$0x1F428] =	vst v63  }
0xed: {  	_ =	swait.ge [sflag:s19], $0x61A8  }
0xee: {  	[sflag:s19] =	ssyncset.done $0x0  }
0xef: {  	s7 =	rddreg [dreg:$0x8];
	[sflag:s19] =	ssyncadd.s32 $0xFFFF9E58  }
0xf0: {  	[hbm4b:s7+s3] =	stream.linear.scatter [tilespmem:s20], [sflag:$0x1], $0x61A8, $0x38;
	[tilespmem:$0x1F428] =	vst v63  }
0xf1: {  	_ =	swait.ge [sflag:s19], $0x61A8  }
0xf2: {  	[sflag:s19] =	ssyncset.done $0x0  }
0xf3: {  	[sflag:s19] =	ssyncadd.s32 $0xFFFF9E58  }
0xf4: {  	[tilespmem:s20], [sflag:$0x1] =	stream.linear.gather [spmem:s10], $0x61A8, $0x38;
	[tilespmem:$0x1F428] =	vst v63  }
0xf5: {  	_ =	swait.ge [sflag:s19], $0x61A8  }
0xf6: {  	[sflag:s19] =	ssyncset.done $0x0  }
0xf7: {  	s9 =	rddreg [dreg:$0x9];
	[sflag:s19] =	ssyncadd.s32 $0xFFFF9E58  }
0xf8: {  	[hbm4b:s9+s3] =	stream.linear.scatter [tilespmem:s20], [sflag:$0x1], $0x61A8, $0x38;
	[tilespmem:$0x1F428] =	vst v63  }
0xf9: {  	_ =	swait.ge [sflag:s19], $0x61A8  }
0xfa: {  	[sflag:s19] =	ssyncset.done $0x0  }
0xfb: {  	s1 =	simm.s32 @!p0 $0x8000;
	s7 =	simm.s32 @!p0 $0x1;
	[sflag:s19] =	ssyncadd.s32 $0xFFFF9E58  }
0xfc: {  	[tilespmem:s1], [sflag:$0x1] =	stream.linear.gather @!p0 [spmem:s12], $0x61A8, $0x38;
	[tilespmem:$0x1F428] =	vst v63  }
0xfd: {  	_ =	swait.ge @!p0 [sflag:s7], $0x61A8  }
0xfe: {  	[sflag:s7] =	ssyncset.done @!p0 $0x0  }
0xff: {  	s9 =	simm.s32 @!p0 $0x0;
	s11 =	rddreg [dreg:$0xa];
	[sflag:s7] =	ssyncadd.s32 @!p0 $0xFFFF9E58  }
0x100: {  	[hbm4b:s11+s9] =	stream.linear.scatter @!p0 [tilespmem:s1], [sflag:$0x1], $0x61A8, $0x38;
	[tilespmem:$0x1F428] =	vst v63  }
0x101: {  	_ =	swait.ge @!p0 [sflag:s7], $0x61A8  }
0x102: {  	s0 =	sadd.s32 $0x1, s0;
	s11 =	rddreg [dreg:$0xb]  }
0x103: {  	p1 =	sne.s32 s0, s11  }
.Ltmp3:
0x104: {  	_ = 	snop;
	(pc) =	sbr.rel @p1 .LBB2_1-.Ltmp3, $3  }
0x105: {  	_ =	sdelay $0x1  }
0x106: {  	[sflag:s7] =	ssyncset.done @!p0 $0x0  }
0x107: {  	[sflag:s7] =	ssyncadd.s32 @!p0 $0xFFFF9E58  }
0x108: {  	_ =	sfence.sel $0x180000  }
0x109: {  	[bflag:$0x0] =	sbarrier.arrive $0xFFFF  }
0x10a: {  	_ =	strace $0x90000047  }
0x10b: {  	s0 =	stileid.u32;
	[bflag:$0x2] =	sbarrier.arrive $0xFFFF  }
0x10c: {  	p0 =	sne.s32 s0, $0x0;
	s0 =	rddreg [dreg:$0x3]  }
0x10d: {  	s0 =	sadd.s32 @!p0 $0x100000, s0  }
0x10e: {  	[sflag:s0] =	ssyncadd.tile.s32 @!p0 $0x1;
	_ =	shalt  }
.Lfunc_end2:
_tile_overlayer_lowered:
.L_overlay_start_2:
0x10f: {  	(tag) =	ssettag $0x2  }
0x110: {  	s0 =	rddreg [dreg:$0x0];
	s2 =	stileid.u32  }
0x111: {  	s1 =	rddreg [dreg:$0x1];
	p0 =	sne.s32 s2, $0x0  }
0x112: {  	s3 =	rddreg [dreg:$0x2];
	[bflag:$0x3] =	sbarrier.arrive $0xFFFF;
	s2 =	simm.s32 @!p0 $0x1C01  }
0x113: {  	[timem:s3], [sflag:s2] =	dma.local @!p0 [hbm:s0], s1  }
0x114: {  	s0 =	simm.s32 @!p0 $0x1  }
0x115: {  	_ =	swait.ge @!p0 [sflag:s0], s1  }
0x116: {  	s1 =	ssub.s32 @!p0 $0x0, s1;
	[sflag:s0] =	ssyncset.done @!p0 $0x0  }
0x117: {  	[sflag:s0] =	ssyncadd.s32 @!p0 s1  }
0x118: {  	[bflag:$0x3] =	sbarrier.arrive $0xFFFF  }
0x119: {  	_ =	shalt  }

</sc_bundles>
